<compile_context>
chip_gen: v7x
topology: tpu7x:2x2x1
jax: 0.10.2.dev20260603
libtpu: 0.0.44.dev20260713+nightly
codegen_flags: <defaults>
</compile_context>

<pallas_src>
import dataclasses
import functools

import jax
import jax.numpy as jnp
from jax import lax
from jax.experimental import pallas as pl
from jax.experimental.pallas import tpu as pltpu
from jax.experimental.pallas import tpu_sc as plsc

B = 16384
V = 1000000
D = 64
K = 2
EPS = 1e-6

NC = 2
NS = 16
NW = NC * NS
BPW = B // NW
GRP = 8


def _sc_gather(table3, idx2d):
    mesh = plsc.VectorSubcoreMesh(core_axis_name="c", subcore_axis_name="s")
    cp = pltpu.CompilerParams()
    if "needs_layout_passes" in pltpu.CompilerParams.__dataclass_fields__:
        cp = dataclasses.replace(cp, needs_layout_passes=False)

    @functools.partial(
        pl.kernel,
        out_type=jax.ShapeDtypeStruct((B, D), jnp.float32),
        mesh=mesh,
        compiler_params=cp,
        scratch_types=[
            pltpu.VMEM((BPW,), jnp.int32),
            pltpu.VMEM((BPW, D), jnp.float32),
            pltpu.SemaphoreType.DMA,
            pltpu.SemaphoreType.DMA,
        ],
    )
    def gather_kernel(table_hbm, idx_hbm, out_hbm, idx_v, rows_v, isem, sem):
        wid = lax.axis_index("s") * NC + lax.axis_index("c")
        base = wid * BPW
        pltpu.async_copy(idx_hbm.at[wid], idx_v, isem).wait()
        lane = lax.broadcasted_iota(jnp.int32, (16,), 0)

        @pl.loop(0, BPW // 16)
        def _(g):
            v = idx_v[pl.ds(g * 16, 16)]
            for k in range(16):
                s = jnp.sum(jnp.where(lane == k, v, 0))
                pltpu.make_async_copy(
                    table_hbm.at[lax.shift_right_logical(s, 3), s & 7],
                    rows_v.at[g * 16 + k], sem).start()

        pltpu.make_async_copy(
            out_hbm.at[pl.ds(base, BPW)], rows_v, sem).wait()
        pltpu.sync_copy(rows_v, out_hbm.at[pl.ds(base, BPW)])

    return gather_kernel(table3, idx2d)


def _tc_heads(ctx, u, w_cat, b_cat, w_u):

    def body(ctx_ref, u_ref, wc_ref, bc_ref, wu_ref, o_ref):
        raw = jnp.dot(ctx_ref[...], wc_ref[...],
                      preferred_element_type=jnp.float32)
        raw = raw + bc_ref[...] + u_ref[...] * wu_ref[...]
        lu = jax.nn.log_softmax(raw[:, 0:K], axis=-1)
        su = jax.nn.softplus(raw[:, 2 * K:3 * K]) + EPS
        ld = jax.nn.log_softmax(raw[:, 3 * K:4 * K], axis=-1)
        sd = jax.nn.softplus(raw[:, 5 * K:6 * K]) + EPS
        o_ref[:, 0:K] = lu
        o_ref[:, K:2 * K] = raw[:, K:2 * K]
        o_ref[:, 2 * K:3 * K] = su
        o_ref[:, 3 * K:4 * K] = ld
        o_ref[:, 4 * K:5 * K] = raw[:, 4 * K:5 * K]
        o_ref[:, 5 * K:6 * K] = sd

    tb = 4096
    return pl.pallas_call(
        body,
        grid=(B // tb,),
        in_specs=[
            pl.BlockSpec((tb, D), lambda i: (i, 0)),
            pl.BlockSpec((tb, 1), lambda i: (i, 0)),
            pl.BlockSpec((D, 6 * K), lambda i: (0, 0)),
            pl.BlockSpec((1, 6 * K), lambda i: (0, 0)),
            pl.BlockSpec((1, 6 * K), lambda i: (0, 0)),
        ],
        out_specs=pl.BlockSpec((tb, 6 * K), lambda i: (i, 0)),
        out_shape=jax.ShapeDtypeStruct((B, 6 * K), jnp.float32),
    )(ctx, u, w_cat, b_cat, w_u)


def kernel(source, upstream_speed, emb, W_up, b_up, W_down, b_down):
    src = source.astype(jnp.int32)
    idx2d = src.reshape(NW, BPW)
    table3 = emb.reshape(V // GRP, GRP, D)
    ctx = _sc_gather(table3, idx2d)
    w_cat = jnp.concatenate([W_up, W_down[:D]], axis=1)
    b_cat = jnp.concatenate([b_up, b_down])[None, :]
    w_u = jnp.concatenate(
        [jnp.zeros((3 * K,), W_down.dtype), W_down[D]])[None, :]
    u = upstream_speed[:, None]
    return _tc_heads(ctx, u, w_cat, b_cat, w_u)

# --- scband reference (transcript-rebuilt; emitter-appended) ---
"""Pipeline reference for scband-markov-model-24842090840461 (READ-ONLY COPY).

The authoritative reference and input builder live on the scoring server;
editing this copy changes nothing except your own understanding.
"""

import jax, jax.numpy as jnp
import numpy as np

B = 16384
V = 1000000
D = 64
K = 2
EPS = 1e-6


def setup_inputs(seed: int = 0) -> dict:
    key = jax.random.key(seed)
    ks = jax.random.split(key, 8)
    source = jax.random.randint(ks[0], (B,), 0, V)
    upstream_speed = jax.random.normal(ks[1], (B,), dtype=jnp.float32)
    emb = jax.random.normal(ks[2], (V, D), dtype=jnp.float32) * 0.02
    # GMM heads: linear ctx -> [logits(K), means(K), raw_scales(K)] for features=1
    W_up = jax.random.normal(ks[3], (D, 3 * K), dtype=jnp.float32) * 0.05
    b_up = jnp.zeros((3 * K,), dtype=jnp.float32)
    W_down = jax.random.normal(ks[4], (D + 1, 3 * K), dtype=jnp.float32) * 0.05
    b_down = jnp.zeros((3 * K,), dtype=jnp.float32)
    return {
        'source': source,
        'upstream_speed': upstream_speed,
        'emb': emb,
        'W_up': W_up,
        'b_up': b_up,
        'W_down': W_down,
        'b_down': b_down,
    }


def _gmm_params(raw):
    # diagonal-covariance GMM over 1 feature with K components
    logits = jax.nn.log_softmax(raw[..., :K], axis=-1)
    means = raw[..., K:2 * K]
    scales = jax.nn.softplus(raw[..., 2 * K:3 * K]) + EPS
    return jnp.concatenate([logits, means, scales], axis=-1)


def reference(source, upstream_speed, emb, W_up, b_up, W_down, b_down):
    # MarkovModel.forward: embedding lookup -> upstream GMM(ctx),
    # downstream GMM(concat(ctx, upstream_speed)) (teacher forcing)
    ctx = jnp.take(emb, source, axis=0)  # (B, D) embedding gather
    up_raw = ctx @ W_up + b_up
    up_params = _gmm_params(up_raw)  # (B, 3K)
    u = upstream_speed[:, None]
    down_ctx = jnp.concatenate([ctx, u], axis=-1)
    down_raw = down_ctx @ W_down + b_down
    down_params = _gmm_params(down_raw)  # (B, 3K)
    return jnp.concatenate([up_params, down_params], axis=-1)  # (B, 6K)

if __name__ == "__main__":
    import jax
    _d = setup_inputs()
    print(jax.jit(kernel)(*tuple(_d.values())))

</pallas_src>

<mosaic_0001>
#map = affine_map<(d0, d1) -> (0, 0, 0)>
#map1 = affine_map<(d0, d1) -> (0, 0)>
module attributes {stable_mosaic.version = 14 : i64} {
  func.func @gather_kernel(%arg0: i32, %arg1: i32, %arg2: memref<125000x8x64xf32, #tpu.memory_space<hbm>>, %arg3: memref<32x512xi32, #tpu.memory_space<hbm>>, %arg4: memref<16384x64xf32, #tpu.memory_space<hbm>>, %arg5: memref<512xi32, #tpu.memory_space<vmem>>, %arg6: memref<512x64xf32, #tpu.memory_space<vmem>>, %arg7: memref<!tpu.dma_semaphore, #tpu.memory_space<semaphore_mem>>, %arg8: memref<!tpu.dma_semaphore, #tpu.memory_space<semaphore_mem>>) attributes {dimension_semantics = [#tpu.dimension_semantics<core_parallel>, #tpu.dimension_semantics<subcore_parallel>], iteration_bounds = array<i64: 2, 16>, scalar_prefetch = 0 : i64, scratch_operands = 4 : i64, tpu.core_type = #tpu.core_type<sc_vector_subcore>, window_params = [{transform_indices = #map}, {transform_indices = #map1}, {transform_indices = #map1}]} {
    %mul3A = arith.constant 2 : i32
    %mul3A_0 = arith.muli %arg1, %mul3A : i32
    %add3A = arith.addi %mul3A_0, %arg0 : i32
    %mul3A_1 = arith.constant 512 : i32
    %mul3A_2 = arith.muli %add3A, %mul3A_1 : i32
    %dma_start3A = arith.constant 0 : i32
    %dma_start3A_3 = tpu.memref_slice %arg3[%add3A, %dma_start3A] : memref<32x512xi32, #tpu.memory_space<hbm>> -> memref<1x512xi32, #tpu.memory_space<hbm>>
    %dma_start3A_4 = tpu.memref_squeeze %dma_start3A_3 : memref<1x512xi32, #tpu.memory_space<hbm>> -> memref<512xi32, #tpu.memory_space<hbm>>
    %dma_start3A_5 = arith.constant 0 : i32
    %dma_start3A_6 = tpu.memref_slice %arg3[%add3A, %dma_start3A_5] : memref<32x512xi32, #tpu.memory_space<hbm>> -> memref<1x512xi32, #tpu.memory_space<hbm>>
    %dma_start3A_7 = tpu.memref_squeeze %dma_start3A_6 : memref<1x512xi32, #tpu.memory_space<hbm>> -> memref<512xi32, #tpu.memory_space<hbm>>
    tpu.enqueue_dma source(%dma_start3A_7 : memref<512xi32, #tpu.memory_space<hbm>>) target(%arg5 : memref<512xi32, #tpu.memory_space<vmem>>) target_semaphore(%arg7 : memref<!tpu.dma_semaphore, #tpu.memory_space<semaphore_mem>>)
    %dma_wait3A = arith.constant 0 : i32
    %dma_wait3A_8 = tpu.memref_slice %arg3[%add3A, %dma_wait3A] : memref<32x512xi32, #tpu.memory_space<hbm>> -> memref<1x512xi32, #tpu.memory_space<hbm>>
    %dma_wait3A_9 = tpu.memref_squeeze %dma_wait3A_8 : memref<1x512xi32, #tpu.memory_space<hbm>> -> memref<512xi32, #tpu.memory_space<hbm>>
    %dma_wait3A_10 = arith.constant 0 : i32
    %dma_wait3A_11 = tpu.memref_slice %arg3[%add3A, %dma_wait3A_10] : memref<32x512xi32, #tpu.memory_space<hbm>> -> memref<1x512xi32, #tpu.memory_space<hbm>>
    %dma_wait3A_12 = tpu.memref_squeeze %dma_wait3A_11 : memref<1x512xi32, #tpu.memory_space<hbm>> -> memref<512xi32, #tpu.memory_space<hbm>>
    tpu.wait_dma2 semaphore(%arg7 : memref<!tpu.dma_semaphore, #tpu.memory_space<semaphore_mem>>) src(%dma_wait3A_12 : memref<512xi32, #tpu.memory_space<hbm>>) dst(%arg5 : memref<512xi32, #tpu.memory_space<vmem>>)
    %iota3A = tpu.iota {dimensions = array<i32: 0>} : vector<16xi32>
    %scan3A = arith.constant 0 : i32
    %scan3A_13 = arith.constant 32 : i32
    %scan3A_14 = arith.addi %scan3A, %scan3A_13 : i32
    %scan3A_15 = arith.constant 1 : i32
    scf.for %scan3A_21 = %scan3A to %scan3A_14 step %scan3A_15  : i32 {
      %mul3A_22 = arith.constant 1 : i32
      %mul3A_23 = arith.muli %scan3A_21, %mul3A_22 : i32
      %add3A_24 = arith.constant 0 : i32
      %add3A_25 = arith.addi %add3A_24, %mul3A_23 : i32
      %mul3A_26 = arith.constant 16 : i32
      %mul3A_27 = arith.muli %add3A_25, %mul3A_26 : i32
      %get3A = arith.index_cast %mul3A_27 : i32 to index
      %get3A_28 = tpu.vector_load %arg5[%get3A] {strides = array<i32>} : memref<512xi32, #tpu.memory_space<vmem>>, vector<16xi32>,
      %eq3A = arith.constant 0 : i32
      %eq3A_29 = vector.broadcast %eq3A : i32 to vector<16xi32>
      %eq3A_30 = arith.cmpi eq, %iota3A, %eq3A_29 : vector<16xi32>
      %jit3A = arith.constant 0 : i32
      %broadcast_in_dim3A = vector.broadcast %jit3A : i32 to vector<16xi32>
      %select_n3A = arith.select %eq3A_30, %get3A_28, %broadcast_in_dim3A : vector<16xi1>, vector<16xi32>
      %reduce_sum3A = arith.constant true
      %reduce_sum3A_31 = vector.broadcast %reduce_sum3A : i1 to vector<16xi1>
      %reduce_sum3A_32 = tpu.scan <sum>, %select_n3A masked %reduce_sum3A_31 : vector<16xi32>, vector<16xi1> -> vector<16xi32>
      %reduce_sum3A_33 = vector.extract %reduce_sum3A_32[15] : i32 from vector<16xi32>
      %shift_right_logical3A = arith.constant 3 : i32
      %shift_right_logical3A_34 = arith.shrui %reduce_sum3A_33, %shift_right_logical3A : i32
      %and3A = arith.constant 7 : i32
      %and3A_35 = arith.andi %reduce_sum3A_33, %and3A : i32
      %mul3A_36 = arith.constant 16 : i32
      %mul3A_37 = arith.muli %add3A_25, %mul3A_36 : i32
      %add3A_38 = arith.constant 0 : i32
      %add3A_39 = arith.addi %mul3A_37, %add3A_38 : i32
      %dma_start3A_40 = arith.constant 0 : i32
      %dma_start3A_41 = tpu.memref_slice %arg6[%add3A_39, %dma_start3A_40] : memref<512x64xf32, #tpu.memory_space<vmem>> -> memref<1x64xf32, #tpu.memory_space<vmem>>
      %dma_start3A_42 = tpu.memref_squeeze %dma_start3A_41 : memref<1x64xf32, #tpu.memory_space<vmem>> -> memref<64xf32, #tpu.memory_space<vmem>>
      %dma_start3A_43 = arith.constant 0 : i32
      %dma_start3A_44 = tpu.memref_slice %arg2[%shift_right_logical3A_34, %and3A_35, %dma_start3A_43] : memref<125000x8x64xf32, #tpu.memory_space<hbm>> -> memref<1x1x64xf32, #tpu.memory_space<hbm>>
      %dma_start3A_45 = tpu.memref_squeeze %dma_start3A_44 : memref<1x1x64xf32, #tpu.memory_space<hbm>> -> memref<64xf32, #tpu.memory_space<hbm>>
      %dma_start3A_46 = arith.constant 0 : i32
      %dma_start3A_47 = tpu.memref_slice %arg6[%add3A_39, %dma_start3A_46] : memref<512x64xf32, #tpu.memory_space<vmem>> -> memref<1x64xf32, #tpu.memory_space<vmem>>
      %dma_start3A_48 = tpu.memref_squeeze %dma_start3A_47 : memref<1x64xf32, #tpu.memory_space<vmem>> -> memref<64xf32, #tpu.memory_space<vmem>>
      %dma_start3A_49 = arith.constant 0 : i32
      %dma_start3A_50 = tpu.memref_slice %arg2[%shift_right_logical3A_34, %and3A_35, %dma_start3A_49] : memref<125000x8x64xf32, #tpu.memory_space<hbm>> -> memref<1x1x64xf32, #tpu.memory_space<hbm>>
      %dma_start3A_51 = tpu.memref_squeeze %dma_start3A_50 : memref<1x1x64xf32, #tpu.memory_space<hbm>> -> memref<64xf32, #tpu.memory_space<hbm>>
      tpu.enqueue_dma source(%dma_start3A_51 : memref<64xf32, #tpu.memory_space<hbm>>) target(%dma_start3A_48 : memref<64xf32, #tpu.memory_space<vmem>>) target_semaphore(%arg8 : memref<!tpu.dma_semaphore, #tpu.memory_space<semaphore_mem>>)
      %eq3A_52 = arith.constant 1 : i32
      %eq3A_53 = vector.broadcast %eq3A_52 : i32 to vector<16xi32>
      %eq3A_54 = arith.cmpi eq, %iota3A, %eq3A_53 : vector<16xi32>
      %jit3A_55 = arith.constant 0 : i32
      %broadcast_in_dim3A_56 = vector.broadcast %jit3A_55 : i32 to vector<16xi32>
      %select_n3A_57 = arith.select %eq3A_54, %get3A_28, %broadcast_in_dim3A_56 : vector<16xi1>, vector<16xi32>
      %reduce_sum3A_58 = arith.constant true
      %reduce_sum3A_59 = vector.broadcast %reduce_sum3A_58 : i1 to vector<16xi1>
      %reduce_sum3A_60 = tpu.scan <sum>, %select_n3A_57 masked %reduce_sum3A_59 : vector<16xi32>, vector<16xi1> -> vector<16xi32>
      %reduce_sum3A_61 = vector.extract %reduce_sum3A_60[15] : i32 from vector<16xi32>
      %shift_right_logical3A_62 = arith.constant 3 : i32
      %shift_right_logical3A_63 = arith.shrui %reduce_sum3A_61, %shift_right_logical3A_62 : i32
      %and3A_64 = arith.constant 7 : i32
      %and3A_65 = arith.andi %reduce_sum3A_61, %and3A_64 : i32
      %mul3A_66 = arith.constant 16 : i32
      %mul3A_67 = arith.muli %add3A_25, %mul3A_66 : i32
      %add3A_68 = arith.constant 1 : i32
      %add3A_69 = arith.addi %mul3A_67, %add3A_68 : i32
      %dma_start3A_70 = arith.constant 0 : i32
      %dma_start3A_71 = tpu.memref_slice %arg6[%add3A_69, %dma_start3A_70] : memref<512x64xf32, #tpu.memory_space<vmem>> -> memref<1x64xf32, #tpu.memory_space<vmem>>
      %dma_start3A_72 = tpu.memref_squeeze %dma_start3A_71 : memref<1x64xf32, #tpu.memory_space<vmem>> -> memref<64xf32, #tpu.memory_space<vmem>>
      %dma_start3A_73 = arith.constant 0 : i32
      %dma_start3A_74 = tpu.memref_slice %arg2[%shift_right_logical3A_63, %and3A_65, %dma_start3A_73] : memref<125000x8x64xf32, #tpu.memory_space<hbm>> -> memref<1x1x64xf32, #tpu.memory_space<hbm>>
      %dma_start3A_75 = tpu.memref_squeeze %dma_start3A_74 : memref<1x1x64xf32, #tpu.memory_space<hbm>> -> memref<64xf32, #tpu.memory_space<hbm>>
      %dma_start3A_76 = arith.constant 0 : i32
      %dma_start3A_77 = tpu.memref_slice %arg6[%add3A_69, %dma_start3A_76] : memref<512x64xf32, #tpu.memory_space<vmem>> -> memref<1x64xf32, #tpu.memory_space<vmem>>
      %dma_start3A_78 = tpu.memref_squeeze %dma_start3A_77 : memref<1x64xf32, #tpu.memory_space<vmem>> -> memref<64xf32, #tpu.memory_space<vmem>>
      %dma_start3A_79 = arith.constant 0 : i32
      %dma_start3A_80 = tpu.memref_slice %arg2[%shift_right_logical3A_63, %and3A_65, %dma_start3A_79] : memref<125000x8x64xf32, #tpu.memory_space<hbm>> -> memref<1x1x64xf32, #tpu.memory_space<hbm>>
      %dma_start3A_81 = tpu.memref_squeeze %dma_start3A_80 : memref<1x1x64xf32, #tpu.memory_space<hbm>> -> memref<64xf32, #tpu.memory_space<hbm>>
      tpu.enqueue_dma source(%dma_start3A_81 : memref<64xf32, #tpu.memory_space<hbm>>) target(%dma_start3A_78 : memref<64xf32, #tpu.memory_space<vmem>>) target_semaphore(%arg8 : memref<!tpu.dma_semaphore, #tpu.memory_space<semaphore_mem>>)
      %eq3A_82 = arith.constant 2 : i32
      %eq3A_83 = vector.broadcast %eq3A_82 : i32 to vector<16xi32>
      %eq3A_84 = arith.cmpi eq, %iota3A, %eq3A_83 : vector<16xi32>
      %jit3A_85 = arith.constant 0 : i32
      %broadcast_in_dim3A_86 = vector.broadcast %jit3A_85 : i32 to vector<16xi32>
      %select_n3A_87 = arith.select %eq3A_84, %get3A_28, %broadcast_in_dim3A_86 : vector<16xi1>, vector<16xi32>
      %reduce_sum3A_88 = arith.constant true
      %reduce_sum3A_89 = vector.broadcast %reduce_sum3A_88 : i1 to vector<16xi1>
      %reduce_sum3A_90 = tpu.scan <sum>, %select_n3A_87 masked %reduce_sum3A_89 : vector<16xi32>, vector<16xi1> -> vector<16xi32>
      %reduce_sum3A_91 = vector.extract %reduce_sum3A_90[15] : i32 from vector<16xi32>
      %shift_right_logical3A_92 = arith.constant 3 : i32
      %shift_right_logical3A_93 = arith.shrui %reduce_sum3A_91, %shift_right_logical3A_92 : i32
      %and3A_94 = arith.constant 7 : i32
      %and3A_95 = arith.andi %reduce_sum3A_91, %and3A_94 : i32
      %mul3A_96 = arith.constant 16 : i32
      %mul3A_97 = arith.muli %add3A_25, %mul3A_96 : i32
      %add3A_98 = arith.constant 2 : i32
      %add3A_99 = arith.addi %mul3A_97, %add3A_98 : i32
      %dma_start3A_100 = arith.constant 0 : i32
      %dma_start3A_101 = tpu.memref_slice %arg6[%add3A_99, %dma_start3A_100] : memref<512x64xf32, #tpu.memory_space<vmem>> -> memref<1x64xf32, #tpu.memory_space<vmem>>
      %dma_start3A_102 = tpu.memref_squeeze %dma_start3A_101 : memref<1x64xf32, #tpu.memory_space<vmem>> -> memref<64xf32, #tpu.memory_space<vmem>>
      %dma_start3A_103 = arith.constant 0 : i32
      %dma_start3A_104 = tpu.memref_slice %arg2[%shift_right_logical3A_93, %and3A_95, %dma_start3A_103] : memref<125000x8x64xf32, #tpu.memory_space<hbm>> -> memref<1x1x64xf32, #tpu.memory_space<hbm>>
      %dma_start3A_105 = tpu.memref_squeeze %dma_start3A_104 : memref<1x1x64xf32, #tpu.memory_space<hbm>> -> memref<64xf32, #tpu.memory_space<hbm>>
      %dma_start3A_106 = arith.constant 0 : i32
      %dma_start3A_107 = tpu.memref_slice %arg6[%add3A_99, %dma_start3A_106] : memref<512x64xf32, #tpu.memory_space<vmem>> -> memref<1x64xf32, #tpu.memory_space<vmem>>
      %dma_start3A_108 = tpu.memref_squeeze %dma_start3A_107 : memref<1x64xf32, #tpu.memory_space<vmem>> -> memref<64xf32, #tpu.memory_space<vmem>>
      %dma_start3A_109 = arith.constant 0 : i32
      %dma_start3A_110 = tpu.memref_slice %arg2[%shift_right_logical3A_93, %and3A_95, %dma_start3A_109] : memref<125000x8x64xf32, #tpu.memory_space<hbm>> -> memref<1x1x64xf32, #tpu.memory_space<hbm>>
      %dma_start3A_111 = tpu.memref_squeeze %dma_start3A_110 : memref<1x1x64xf32, #tpu.memory_space<hbm>> -> memref<64xf32, #tpu.memory_space<hbm>>
      tpu.enqueue_dma source(%dma_start3A_111 : memref<64xf32, #tpu.memory_space<hbm>>) target(%dma_start3A_108 : memref<64xf32, #tpu.memory_space<vmem>>) target_semaphore(%arg8 : memref<!tpu.dma_semaphore, #tpu.memory_space<semaphore_mem>>)
      %eq3A_112 = arith.constant 3 : i32
      %eq3A_113 = vector.broadcast %eq3A_112 : i32 to vector<16xi32>
      %eq3A_114 = arith.cmpi eq, %iota3A, %eq3A_113 : vector<16xi32>
      %jit3A_115 = arith.constant 0 : i32
      %broadcast_in_dim3A_116 = vector.broadcast %jit3A_115 : i32 to vector<16xi32>
      %select_n3A_117 = arith.select %eq3A_114, %get3A_28, %broadcast_in_dim3A_116 : vector<16xi1>, vector<16xi32>
      %reduce_sum3A_118 = arith.constant true
      %reduce_sum3A_119 = vector.broadcast %reduce_sum3A_118 : i1 to vector<16xi1>
      %reduce_sum3A_120 = tpu.scan <sum>, %select_n3A_117 masked %reduce_sum3A_119 : vector<16xi32>, vector<16xi1> -> vector<16xi32>
      %reduce_sum3A_121 = vector.extract %reduce_sum3A_120[15] : i32 from vector<16xi32>
      %shift_right_logical3A_122 = arith.constant 3 : i32
      %shift_right_logical3A_123 = arith.shrui %reduce_sum3A_121, %shift_right_logical3A_122 : i32
      %and3A_124 = arith.constant 7 : i32
      %and3A_125 = arith.andi %reduce_sum3A_121, %and3A_124 : i32
      %mul3A_126 = arith.constant 16 : i32
      %mul3A_127 = arith.muli %add3A_25, %mul3A_126 : i32
      %add3A_128 = arith.constant 3 : i32
      %add3A_129 = arith.addi %mul3A_127, %add3A_128 : i32
      %dma_start3A_130 = arith.constant 0 : i32
      %dma_start3A_131 = tpu.memref_slice %arg6[%add3A_129, %dma_start3A_130] : memref<512x64xf32, #tpu.memory_space<vmem>> -> memref<1x64xf32, #tpu.memory_space<vmem>>
      %dma_start3A_132 = tpu.memref_squeeze %dma_start3A_131 : memref<1x64xf32, #tpu.memory_space<vmem>> -> memref<64xf32, #tpu.memory_space<vmem>>
      %dma_start3A_133 = arith.constant 0 : i32
      %dma_start3A_134 = tpu.memref_slice %arg2[%shift_right_logical3A_123, %and3A_125, %dma_start3A_133] : memref<125000x8x64xf32, #tpu.memory_space<hbm>> -> memref<1x1x64xf32, #tpu.memory_space<hbm>>
      %dma_start3A_135 = tpu.memref_squeeze %dma_start3A_134 : memref<1x1x64xf32, #tpu.memory_space<hbm>> -> memref<64xf32, #tpu.memory_space<hbm>>
      %dma_start3A_136 = arith.constant 0 : i32
      %dma_start3A_137 = tpu.memref_slice %arg6[%add3A_129, %dma_start3A_136] : memref<512x64xf32, #tpu.memory_space<vmem>> -> memref<1x64xf32, #tpu.memory_space<vmem>>
      %dma_start3A_138 = tpu.memref_squeeze %dma_start3A_137 : memref<1x64xf32, #tpu.memory_space<vmem>> -> memref<64xf32, #tpu.memory_space<vmem>>
      %dma_start3A_139 = arith.constant 0 : i32
      %dma_start3A_140 = tpu.memref_slice %arg2[%shift_right_logical3A_123, %and3A_125, %dma_start3A_139] : memref<125000x8x64xf32, #tpu.memory_space<hbm>> -> memref<1x1x64xf32, #tpu.memory_space<hbm>>
      %dma_start3A_141 = tpu.memref_squeeze %dma_start3A_140 : memref<1x1x64xf32, #tpu.memory_space<hbm>> -> memref<64xf32, #tpu.memory_space<hbm>>
      tpu.enqueue_dma source(%dma_start3A_141 : memref<64xf32, #tpu.memory_space<hbm>>) target(%dma_start3A_138 : memref<64xf32, #tpu.memory_space<vmem>>) target_semaphore(%arg8 : memref<!tpu.dma_semaphore, #tpu.memory_space<semaphore_mem>>)
      %eq3A_142 = arith.constant 4 : i32
      %eq3A_143 = vector.broadcast %eq3A_142 : i32 to vector<16xi32>
      %eq3A_144 = arith.cmpi eq, %iota3A, %eq3A_143 : vector<16xi32>
      %jit3A_145 = arith.constant 0 : i32
      %broadcast_in_dim3A_146 = vector.broadcast %jit3A_145 : i32 to vector<16xi32>
      %select_n3A_147 = arith.select %eq3A_144, %get3A_28, %broadcast_in_dim3A_146 : vector<16xi1>, vector<16xi32>
      %reduce_sum3A_148 = arith.constant true
      %reduce_sum3A_149 = vector.broadcast %reduce_sum3A_148 : i1 to vector<16xi1>
      %reduce_sum3A_150 = tpu.scan <sum>, %select_n3A_147 masked %reduce_sum3A_149 : vector<16xi32>, vector<16xi1> -> vector<16xi32>
      %reduce_sum3A_151 = vector.extract %reduce_sum3A_150[15] : i32 from vector<16xi32>
      %shift_right_logical3A_152 = arith.constant 3 : i32
      %shift_right_logical3A_153 = arith.shrui %reduce_sum3A_151, %shift_right_logical3A_152 : i32
      %and3A_154 = arith.constant 7 : i32
      %and3A_155 = arith.andi %reduce_sum3A_151, %and3A_154 : i32
      %mul3A_156 = arith.constant 16 : i32
      %mul3A_157 = arith.muli %add3A_25, %mul3A_156 : i32
      %add3A_158 = arith.constant 4 : i32
      %add3A_159 = arith.addi %mul3A_157, %add3A_158 : i32
      %dma_start3A_160 = arith.constant 0 : i32
      %dma_start3A_161 = tpu.memref_slice %arg6[%add3A_159, %dma_start3A_160] : memref<512x64xf32, #tpu.memory_space<vmem>> -> memref<1x64xf32, #tpu.memory_space<vmem>>
      %dma_start3A_162 = tpu.memref_squeeze %dma_start3A_161 : memref<1x64xf32, #tpu.memory_space<vmem>> -> memref<64xf32, #tpu.memory_space<vmem>>
      %dma_start3A_163 = arith.constant 0 : i32
      %dma_start3A_164 = tpu.memref_slice %arg2[%shift_right_logical3A_153, %and3A_155, %dma_start3A_163] : memref<125000x8x64xf32, #tpu.memory_space<hbm>> -> memref<1x1x64xf32, #tpu.memory_space<hbm>>
      %dma_start3A_165 = tpu.memref_squeeze %dma_start3A_164 : memref<1x1x64xf32, #tpu.memory_space<hbm>> -> memref<64xf32, #tpu.memory_space<hbm>>
      %dma_start3A_166 = arith.constant 0 : i32
      %dma_start3A_167 = tpu.memref_slice %arg6[%add3A_159, %dma_start3A_166] : memref<512x64xf32, #tpu.memory_space<vmem>> -> memref<1x64xf32, #tpu.memory_space<vmem>>
      %dma_start3A_168 = tpu.memref_squeeze %dma_start3A_167 : memref<1x64xf32, #tpu.memory_space<vmem>> -> memref<64xf32, #tpu.memory_space<vmem>>
      %dma_start3A_169 = arith.constant 0 : i32
      %dma_start3A_170 = tpu.memref_slice %arg2[%shift_right_logical3A_153, %and3A_155, %dma_start3A_169] : memref<125000x8x64xf32, #tpu.memory_space<hbm>> -> memref<1x1x64xf32, #tpu.memory_space<hbm>>
      %dma_start3A_171 = tpu.memref_squeeze %dma_start3A_170 : memref<1x1x64xf32, #tpu.memory_space<hbm>> -> memref<64xf32, #tpu.memory_space<hbm>>
      tpu.enqueue_dma source(%dma_start3A_171 : memref<64xf32, #tpu.memory_space<hbm>>) target(%dma_start3A_168 : memref<64xf32, #tpu.memory_space<vmem>>) target_semaphore(%arg8 : memref<!tpu.dma_semaphore, #tpu.memory_space<semaphore_mem>>)
      %eq3A_172 = arith.constant 5 : i32
      %eq3A_173 = vector.broadcast %eq3A_172 : i32 to vector<16xi32>
      %eq3A_174 = arith.cmpi eq, %iota3A, %eq3A_173 : vector<16xi32>
      %jit3A_175 = arith.constant 0 : i32
      %broadcast_in_dim3A_176 = vector.broadcast %jit3A_175 : i32 to vector<16xi32>
      %select_n3A_177 = arith.select %eq3A_174, %get3A_28, %broadcast_in_dim3A_176 : vector<16xi1>, vector<16xi32>
      %reduce_sum3A_178 = arith.constant true
      %reduce_sum3A_179 = vector.broadcast %reduce_sum3A_178 : i1 to vector<16xi1>
      %reduce_sum3A_180 = tpu.scan <sum>, %select_n3A_177 masked %reduce_sum3A_179 : vector<16xi32>, vector<16xi1> -> vector<16xi32>
      %reduce_sum3A_181 = vector.extract %reduce_sum3A_180[15] : i32 from vector<16xi32>
      %shift_right_logical3A_182 = arith.constant 3 : i32
      %shift_right_logical3A_183 = arith.shrui %reduce_sum3A_181, %shift_right_logical3A_182 : i32
      %and3A_184 = arith.constant 7 : i32
      %and3A_185 = arith.andi %reduce_sum3A_181, %and3A_184 : i32
      %mul3A_186 = arith.constant 16 : i32
      %mul3A_187 = arith.muli %add3A_25, %mul3A_186 : i32
      %add3A_188 = arith.constant 5 : i32
      %add3A_189 = arith.addi %mul3A_187, %add3A_188 : i32
      %dma_start3A_190 = arith.constant 0 : i32
      %dma_start3A_191 = tpu.memref_slice %arg6[%add3A_189, %dma_start3A_190] : memref<512x64xf32, #tpu.memory_space<vmem>> -> memref<1x64xf32, #tpu.memory_space<vmem>>
      %dma_start3A_192 = tpu.memref_squeeze %dma_start3A_191 : memref<1x64xf32, #tpu.memory_space<vmem>> -> memref<64xf32, #tpu.memory_space<vmem>>
      %dma_start3A_193 = arith.constant 0 : i32
      %dma_start3A_194 = tpu.memref_slice %arg2[%shift_right_logical3A_183, %and3A_185, %dma_start3A_193] : memref<125000x8x64xf32, #tpu.memory_space<hbm>> -> memref<1x1x64xf32, #tpu.memory_space<hbm>>
      %dma_start3A_195 = tpu.memref_squeeze %dma_start3A_194 : memref<1x1x64xf32, #tpu.memory_space<hbm>> -> memref<64xf32, #tpu.memory_space<hbm>>
      %dma_start3A_196 = arith.constant 0 : i32
      %dma_start3A_197 = tpu.memref_slice %arg6[%add3A_189, %dma_start3A_196] : memref<512x64xf32, #tpu.memory_space<vmem>> -> memref<1x64xf32, #tpu.memory_space<vmem>>
      %dma_start3A_198 = tpu.memref_squeeze %dma_start3A_197 : memref<1x64xf32, #tpu.memory_space<vmem>> -> memref<64xf32, #tpu.memory_space<vmem>>
      %dma_start3A_199 = arith.constant 0 : i32
      %dma_start3A_200 = tpu.memref_slice %arg2[%shift_right_logical3A_183, %and3A_185, %dma_start3A_199] : memref<125000x8x64xf32, #tpu.memory_space<hbm>> -> memref<1x1x64xf32, #tpu.memory_space<hbm>>
      %dma_start3A_201 = tpu.memref_squeeze %dma_start3A_200 : memref<1x1x64xf32, #tpu.memory_space<hbm>> -> memref<64xf32, #tpu.memory_space<hbm>>
      tpu.enqueue_dma source(%dma_start3A_201 : memref<64xf32, #tpu.memory_space<hbm>>) target(%dma_start3A_198 : memref<64xf32, #tpu.memory_space<vmem>>) target_semaphore(%arg8 : memref<!tpu.dma_semaphore, #tpu.memory_space<semaphore_mem>>)
      %eq3A_202 = arith.constant 6 : i32
      %eq3A_203 = vector.broadcast %eq3A_202 : i32 to vector<16xi32>
      %eq3A_204 = arith.cmpi eq, %iota3A, %eq3A_203 : vector<16xi32>
      %jit3A_205 = arith.constant 0 : i32
      %broadcast_in_dim3A_206 = vector.broadcast %jit3A_205 : i32 to vector<16xi32>
      %select_n3A_207 = arith.select %eq3A_204, %get3A_28, %broadcast_in_dim3A_206 : vector<16xi1>, vector<16xi32>
      %reduce_sum3A_208 = arith.constant true
      %reduce_sum3A_209 = vector.broadcast %reduce_sum3A_208 : i1 to vector<16xi1>
      %reduce_sum3A_210 = tpu.scan <sum>, %select_n3A_207 masked %reduce_sum3A_209 : vector<16xi32>, vector<16xi1> -> vector<16xi32>
      %reduce_sum3A_211 = vector.extract %reduce_sum3A_210[15] : i32 from vector<16xi32>
      %shift_right_logical3A_212 = arith.constant 3 : i32
      %shift_right_logical3A_213 = arith.shrui %reduce_sum3A_211, %shift_right_logical3A_212 : i32
      %and3A_214 = arith.constant 7 : i32
      %and3A_215 = arith.andi %reduce_sum3A_211, %and3A_214 : i32
      %mul3A_216 = arith.constant 16 : i32
      %mul3A_217 = arith.muli %add3A_25, %mul3A_216 : i32
      %add3A_218 = arith.constant 6 : i32
      %add3A_219 = arith.addi %mul3A_217, %add3A_218 : i32
      %dma_start3A_220 = arith.constant 0 : i32
      %dma_start3A_221 = tpu.memref_slice %arg6[%add3A_219, %dma_start3A_220] : memref<512x64xf32, #tpu.memory_space<vmem>> -> memref<1x64xf32, #tpu.memory_space<vmem>>
      %dma_start3A_222 = tpu.memref_squeeze %dma_start3A_221 : memref<1x64xf32, #tpu.memory_space<vmem>> -> memref<64xf32, #tpu.memory_space<vmem>>
      %dma_start3A_223 = arith.constant 0 : i32
      %dma_start3A_224 = tpu.memref_slice %arg2[%shift_right_logical3A_213, %and3A_215, %dma_start3A_223] : memref<125000x8x64xf32, #tpu.memory_space<hbm>> -> memref<1x1x64xf32, #tpu.memory_space<hbm>>
      %dma_start3A_225 = tpu.memref_squeeze %dma_start3A_224 : memref<1x1x64xf32, #tpu.memory_space<hbm>> -> memref<64xf32, #tpu.memory_space<hbm>>
      %dma_start3A_226 = arith.constant 0 : i32
      %dma_start3A_227 = tpu.memref_slice %arg6[%add3A_219, %dma_start3A_226] : memref<512x64xf32, #tpu.memory_space<vmem>> -> memref<1x64xf32, #tpu.memory_space<vmem>>
      %dma_start3A_228 = tpu.memref_squeeze %dma_start3A_227 : memref<1x64xf32, #tpu.memory_space<vmem>> -> memref<64xf32, #tpu.memory_space<vmem>>
      %dma_start3A_229 = arith.constant 0 : i32
      %dma_start3A_230 = tpu.memref_slice %arg2[%shift_right_logical3A_213, %and3A_215, %dma_start3A_229] : memref<125000x8x64xf32, #tpu.memory_space<hbm>> -> memref<1x1x64xf32, #tpu.memory_space<hbm>>
      %dma_start3A_231 = tpu.memref_squeeze %dma_start3A_230 : memref<1x1x64xf32, #tpu.memory_space<hbm>> -> memref<64xf32, #tpu.memory_space<hbm>>
      tpu.enqueue_dma source(%dma_start3A_231 : memref<64xf32, #tpu.memory_space<hbm>>) target(%dma_start3A_228 : memref<64xf32, #tpu.memory_space<vmem>>) target_semaphore(%arg8 : memref<!tpu.dma_semaphore, #tpu.memory_space<semaphore_mem>>)
      %eq3A_232 = arith.constant 7 : i32
      %eq3A_233 = vector.broadcast %eq3A_232 : i32 to vector<16xi32>
      %eq3A_234 = arith.cmpi eq, %iota3A, %eq3A_233 : vector<16xi32>
      %jit3A_235 = arith.constant 0 : i32
      %broadcast_in_dim3A_236 = vector.broadcast %jit3A_235 : i32 to vector<16xi32>
      %select_n3A_237 = arith.select %eq3A_234, %get3A_28, %broadcast_in_dim3A_236 : vector<16xi1>, vector<16xi32>
      %reduce_sum3A_238 = arith.constant true
      %reduce_sum3A_239 = vector.broadcast %reduce_sum3A_238 : i1 to vector<16xi1>
      %reduce_sum3A_240 = tpu.scan <sum>, %select_n3A_237 masked %reduce_sum3A_239 : vector<16xi32>, vector<16xi1> -> vector<16xi32>
      %reduce_sum3A_241 = vector.extract %reduce_sum3A_240[15] : i32 from vector<16xi32>
      %shift_right_logical3A_242 = arith.constant 3 : i32
      %shift_right_logical3A_243 = arith.shrui %reduce_sum3A_241, %shift_right_logical3A_242 : i32
      %and3A_244 = arith.constant 7 : i32
      %and3A_245 = arith.andi %reduce_sum3A_241, %and3A_244 : i32
      %mul3A_246 = arith.constant 16 : i32
      %mul3A_247 = arith.muli %add3A_25, %mul3A_246 : i32
      %add3A_248 = arith.constant 7 : i32
      %add3A_249 = arith.addi %mul3A_247, %add3A_248 : i32
      %dma_start3A_250 = arith.constant 0 : i32
      %dma_start3A_251 = tpu.memref_slice %arg6[%add3A_249, %dma_start3A_250] : memref<512x64xf32, #tpu.memory_space<vmem>> -> memref<1x64xf32, #tpu.memory_space<vmem>>
      %dma_start3A_252 = tpu.memref_squeeze %dma_start3A_251 : memref<1x64xf32, #tpu.memory_space<vmem>> -> memref<64xf32, #tpu.memory_space<vmem>>
      %dma_start3A_253 = arith.constant 0 : i32
      %dma_start3A_254 = tpu.memref_slice %arg2[%shift_right_logical3A_243, %and3A_245, %dma_start3A_253] : memref<125000x8x64xf32, #tpu.memory_space<hbm>> -> memref<1x1x64xf32, #tpu.memory_space<hbm>>
      %dma_start3A_255 = tpu.memref_squeeze %dma_start3A_254 : memref<1x1x64xf32, #tpu.memory_space<hbm>> -> memref<64xf32, #tpu.memory_space<hbm>>
      %dma_start3A_256 = arith.constant 0 : i32
      %dma_start3A_257 = tpu.memref_slice %arg6[%add3A_249, %dma_start3A_256] : memref<512x64xf32, #tpu.memory_space<vmem>> -> memref<1x64xf32, #tpu.memory_space<vmem>>
      %dma_start3A_258 = tpu.memref_squeeze %dma_start3A_257 : memref<1x64xf32, #tpu.memory_space<vmem>> -> memref<64xf32, #tpu.memory_space<vmem>>
      %dma_start3A_259 = arith.constant 0 : i32
      %dma_start3A_260 = tpu.memref_slice %arg2[%shift_right_logical3A_243, %and3A_245, %dma_start3A_259] : memref<125000x8x64xf32, #tpu.memory_space<hbm>> -> memref<1x1x64xf32, #tpu.memory_space<hbm>>
      %dma_start3A_261 = tpu.memref_squeeze %dma_start3A_260 : memref<1x1x64xf32, #tpu.memory_space<hbm>> -> memref<64xf32, #tpu.memory_space<hbm>>
      tpu.enqueue_dma source(%dma_start3A_261 : memref<64xf32, #tpu.memory_space<hbm>>) target(%dma_start3A_258 : memref<64xf32, #tpu.memory_space<vmem>>) target_semaphore(%arg8 : memref<!tpu.dma_semaphore, #tpu.memory_space<semaphore_mem>>)
      %eq3A_262 = arith.constant 8 : i32
      %eq3A_263 = vector.broadcast %eq3A_262 : i32 to vector<16xi32>
      %eq3A_264 = arith.cmpi eq, %iota3A, %eq3A_263 : vector<16xi32>
      %jit3A_265 = arith.constant 0 : i32
      %broadcast_in_dim3A_266 = vector.broadcast %jit3A_265 : i32 to vector<16xi32>
      %select_n3A_267 = arith.select %eq3A_264, %get3A_28, %broadcast_in_dim3A_266 : vector<16xi1>, vector<16xi32>
      %reduce_sum3A_268 = arith.constant true
      %reduce_sum3A_269 = vector.broadcast %reduce_sum3A_268 : i1 to vector<16xi1>
      %reduce_sum3A_270 = tpu.scan <sum>, %select_n3A_267 masked %reduce_sum3A_269 : vector<16xi32>, vector<16xi1> -> vector<16xi32>
      %reduce_sum3A_271 = vector.extract %reduce_sum3A_270[15] : i32 from vector<16xi32>
      %shift_right_logical3A_272 = arith.constant 3 : i32
      %shift_right_logical3A_273 = arith.shrui %reduce_sum3A_271, %shift_right_logical3A_272 : i32
      %and3A_274 = arith.constant 7 : i32
      %and3A_275 = arith.andi %reduce_sum3A_271, %and3A_274 : i32
      %mul3A_276 = arith.constant 16 : i32
      %mul3A_277 = arith.muli %add3A_25, %mul3A_276 : i32
      %add3A_278 = arith.constant 8 : i32
      %add3A_279 = arith.addi %mul3A_277, %add3A_278 : i32
      %dma_start3A_280 = arith.constant 0 : i32
      %dma_start3A_281 = tpu.memref_slice %arg6[%add3A_279, %dma_start3A_280] : memref<512x64xf32, #tpu.memory_space<vmem>> -> memref<1x64xf32, #tpu.memory_space<vmem>>
      %dma_start3A_282 = tpu.memref_squeeze %dma_start3A_281 : memref<1x64xf32, #tpu.memory_space<vmem>> -> memref<64xf32, #tpu.memory_space<vmem>>
      %dma_start3A_283 = arith.constant 0 : i32
      %dma_start3A_284 = tpu.memref_slice %arg2[%shift_right_logical3A_273, %and3A_275, %dma_start3A_283] : memref<125000x8x64xf32, #tpu.memory_space<hbm>> -> memref<1x1x64xf32, #tpu.memory_space<hbm>>
      %dma_start3A_285 = tpu.memref_squeeze %dma_start3A_284 : memref<1x1x64xf32, #tpu.memory_space<hbm>> -> memref<64xf32, #tpu.memory_space<hbm>>
      %dma_start3A_286 = arith.constant 0 : i32
      %dma_start3A_287 = tpu.memref_slice %arg6[%add3A_279, %dma_start3A_286] : memref<512x64xf32, #tpu.memory_space<vmem>> -> memref<1x64xf32, #tpu.memory_space<vmem>>
      %dma_start3A_288 = tpu.memref_squeeze %dma_start3A_287 : memref<1x64xf32, #tpu.memory_space<vmem>> -> memref<64xf32, #tpu.memory_space<vmem>>
      %dma_start3A_289 = arith.constant 0 : i32
      %dma_start3A_290 = tpu.memref_slice %arg2[%shift_right_logical3A_273, %and3A_275, %dma_start3A_289] : memref<125000x8x64xf32, #tpu.memory_space<hbm>> -> memref<1x1x64xf32, #tpu.memory_space<hbm>>
      %dma_start3A_291 = tpu.memref_squeeze %dma_start3A_290 : memref<1x1x64xf32, #tpu.memory_space<hbm>> -> memref<64xf32, #tpu.memory_space<hbm>>
      tpu.enqueue_dma source(%dma_start3A_291 : memref<64xf32, #tpu.memory_space<hbm>>) target(%dma_start3A_288 : memref<64xf32, #tpu.memory_space<vmem>>) target_semaphore(%arg8 : memref<!tpu.dma_semaphore, #tpu.memory_space<semaphore_mem>>)
      %eq3A_292 = arith.constant 9 : i32
      %eq3A_293 = vector.broadcast %eq3A_292 : i32 to vector<16xi32>
      %eq3A_294 = arith.cmpi eq, %iota3A, %eq3A_293 : vector<16xi32>
      %jit3A_295 = arith.constant 0 : i32
      %broadcast_in_dim3A_296 = vector.broadcast %jit3A_295 : i32 to vector<16xi32>
      %select_n3A_297 = arith.select %eq3A_294, %get3A_28, %broadcast_in_dim3A_296 : vector<16xi1>, vector<16xi32>
      %reduce_sum3A_298 = arith.constant true
      %reduce_sum3A_299 = vector.broadcast %reduce_sum3A_298 : i1 to vector<16xi1>
      %reduce_sum3A_300 = tpu.scan <sum>, %select_n3A_297 masked %reduce_sum3A_299 : vector<16xi32>, vector<16xi1> -> vector<16xi32>
      %reduce_sum3A_301 = vector.extract %reduce_sum3A_300[15] : i32 from vector<16xi32>
      %shift_right_logical3A_302 = arith.constant 3 : i32
      %shift_right_logical3A_303 = arith.shrui %reduce_sum3A_301, %shift_right_logical3A_302 : i32
      %and3A_304 = arith.constant 7 : i32
      %and3A_305 = arith.andi %reduce_sum3A_301, %and3A_304 : i32
      %mul3A_306 = arith.constant 16 : i32
      %mul3A_307 = arith.muli %add3A_25, %mul3A_306 : i32
      %add3A_308 = arith.constant 9 : i32
      %add3A_309 = arith.addi %mul3A_307, %add3A_308 : i32
      %dma_start3A_310 = arith.constant 0 : i32
      %dma_start3A_311 = tpu.memref_slice %arg6[%add3A_309, %dma_start3A_310] : memref<512x64xf32, #tpu.memory_space<vmem>> -> memref<1x64xf32, #tpu.memory_space<vmem>>
      %dma_start3A_312 = tpu.memref_squeeze %dma_start3A_311 : memref<1x64xf32, #tpu.memory_space<vmem>> -> memref<64xf32, #tpu.memory_space<vmem>>
      %dma_start3A_313 = arith.constant 0 : i32
      %dma_start3A_314 = tpu.memref_slice %arg2[%shift_right_logical3A_303, %and3A_305, %dma_start3A_313] : memref<125000x8x64xf32, #tpu.memory_space<hbm>> -> memref<1x1x64xf32, #tpu.memory_space<hbm>>
      %dma_start3A_315 = tpu.memref_squeeze %dma_start3A_314 : memref<1x1x64xf32, #tpu.memory_space<hbm>> -> memref<64xf32, #tpu.memory_space<hbm>>
      %dma_start3A_316 = arith.constant 0 : i32
      %dma_start3A_317 = tpu.memref_slice %arg6[%add3A_309, %dma_start3A_316] : memref<512x64xf32, #tpu.memory_space<vmem>> -> memref<1x64xf32, #tpu.memory_space<vmem>>
      %dma_start3A_318 = tpu.memref_squeeze %dma_start3A_317 : memref<1x64xf32, #tpu.memory_space<vmem>> -> memref<64xf32, #tpu.memory_space<vmem>>
      %dma_start3A_319 = arith.constant 0 : i32
      %dma_start3A_320 = tpu.memref_slice %arg2[%shift_right_logical3A_303, %and3A_305, %dma_start3A_319] : memref<125000x8x64xf32, #tpu.memory_space<hbm>> -> memref<1x1x64xf32, #tpu.memory_space<hbm>>
      %dma_start3A_321 = tpu.memref_squeeze %dma_start3A_320 : memref<1x1x64xf32, #tpu.memory_space<hbm>> -> memref<64xf32, #tpu.memory_space<hbm>>
      tpu.enqueue_dma source(%dma_start3A_321 : memref<64xf32, #tpu.memory_space<hbm>>) target(%dma_start3A_318 : memref<64xf32, #tpu.memory_space<vmem>>) target_semaphore(%arg8 : memref<!tpu.dma_semaphore, #tpu.memory_space<semaphore_mem>>)
      %eq3A_322 = arith.constant 10 : i32
      %eq3A_323 = vector.broadcast %eq3A_322 : i32 to vector<16xi32>
      %eq3A_324 = arith.cmpi eq, %iota3A, %eq3A_323 : vector<16xi32>
      %jit3A_325 = arith.constant 0 : i32
      %broadcast_in_dim3A_326 = vector.broadcast %jit3A_325 : i32 to vector<16xi32>
      %select_n3A_327 = arith.select %eq3A_324, %get3A_28, %broadcast_in_dim3A_326 : vector<16xi1>, vector<16xi32>
      %reduce_sum3A_328 = arith.constant true
      %reduce_sum3A_329 = vector.broadcast %reduce_sum3A_328 : i1 to vector<16xi1>
      %reduce_sum3A_330 = tpu.scan <sum>, %select_n3A_327 masked %reduce_sum3A_329 : vector<16xi32>, vector<16xi1> -> vector<16xi32>
      %reduce_sum3A_331 = vector.extract %reduce_sum3A_330[15] : i32 from vector<16xi32>
      %shift_right_logical3A_332 = arith.constant 3 : i32
      %shift_right_logical3A_333 = arith.shrui %reduce_sum3A_331, %shift_right_logical3A_332 : i32
      %and3A_334 = arith.constant 7 : i32
      %and3A_335 = arith.andi %reduce_sum3A_331, %and3A_334 : i32
      %mul3A_336 = arith.constant 16 : i32
      %mul3A_337 = arith.muli %add3A_25, %mul3A_336 : i32
      %add3A_338 = arith.constant 10 : i32
      %add3A_339 = arith.addi %mul3A_337, %add3A_338 : i32
      %dma_start3A_340 = arith.constant 0 : i32
      %dma_start3A_341 = tpu.memref_slice %arg6[%add3A_339, %dma_start3A_340] : memref<512x64xf32, #tpu.memory_space<vmem>> -> memref<1x64xf32, #tpu.memory_space<vmem>>
      %dma_start3A_342 = tpu.memref_squeeze %dma_start3A_341 : memref<1x64xf32, #tpu.memory_space<vmem>> -> memref<64xf32, #tpu.memory_space<vmem>>
      %dma_start3A_343 = arith.constant 0 : i32
      %dma_start3A_344 = tpu.memref_slice %arg2[%shift_right_logical3A_333, %and3A_335, %dma_start3A_343] : memref<125000x8x64xf32, #tpu.memory_space<hbm>> -> memref<1x1x64xf32, #tpu.memory_space<hbm>>
      %dma_start3A_345 = tpu.memref_squeeze %dma_start3A_344 : memref<1x1x64xf32, #tpu.memory_space<hbm>> -> memref<64xf32, #tpu.memory_space<hbm>>
      %dma_start3A_346 = arith.constant 0 : i32
      %dma_start3A_347 = tpu.memref_slice %arg6[%add3A_339, %dma_start3A_346] : memref<512x64xf32, #tpu.memory_space<vmem>> -> memref<1x64xf32, #tpu.memory_space<vmem>>
      %dma_start3A_348 = tpu.memref_squeeze %dma_start3A_347 : memref<1x64xf32, #tpu.memory_space<vmem>> -> memref<64xf32, #tpu.memory_space<vmem>>
      %dma_start3A_349 = arith.constant 0 : i32
      %dma_start3A_350 = tpu.memref_slice %arg2[%shift_right_logical3A_333, %and3A_335, %dma_start3A_349] : memref<125000x8x64xf32, #tpu.memory_space<hbm>> -> memref<1x1x64xf32, #tpu.memory_space<hbm>>
      %dma_start3A_351 = tpu.memref_squeeze %dma_start3A_350 : memref<1x1x64xf32, #tpu.memory_space<hbm>> -> memref<64xf32, #tpu.memory_space<hbm>>
      tpu.enqueue_dma source(%dma_start3A_351 : memref<64xf32, #tpu.memory_space<hbm>>) target(%dma_start3A_348 : memref<64xf32, #tpu.memory_space<vmem>>) target_semaphore(%arg8 : memref<!tpu.dma_semaphore, #tpu.memory_space<semaphore_mem>>)
      %eq3A_352 = arith.constant 11 : i32
      %eq3A_353 = vector.broadcast %eq3A_352 : i32 to vector<16xi32>
      %eq3A_354 = arith.cmpi eq, %iota3A, %eq3A_353 : vector<16xi32>
      %jit3A_355 = arith.constant 0 : i32
      %broadcast_in_dim3A_356 = vector.broadcast %jit3A_355 : i32 to vector<16xi32>
      %select_n3A_357 = arith.select %eq3A_354, %get3A_28, %broadcast_in_dim3A_356 : vector<16xi1>, vector<16xi32>
      %reduce_sum3A_358 = arith.constant true
      %reduce_sum3A_359 = vector.broadcast %reduce_sum3A_358 : i1 to vector<16xi1>
      %reduce_sum3A_360 = tpu.scan <sum>, %select_n3A_357 masked %reduce_sum3A_359 : vector<16xi32>, vector<16xi1> -> vector<16xi32>
      %reduce_sum3A_361 = vector.extract %reduce_sum3A_360[15] : i32 from vector<16xi32>
      %shift_right_logical3A_362 = arith.constant 3 : i32
      %shift_right_logical3A_363 = arith.shrui %reduce_sum3A_361, %shift_right_logical3A_362 : i32
      %and3A_364 = arith.constant 7 : i32
      %and3A_365 = arith.andi %reduce_sum3A_361, %and3A_364 : i32
      %mul3A_366 = arith.constant 16 : i32
      %mul3A_367 = arith.muli %add3A_25, %mul3A_366 : i32
      %add3A_368 = arith.constant 11 : i32
      %add3A_369 = arith.addi %mul3A_367, %add3A_368 : i32
      %dma_start3A_370 = arith.constant 0 : i32
      %dma_start3A_371 = tpu.memref_slice %arg6[%add3A_369, %dma_start3A_370] : memref<512x64xf32, #tpu.memory_space<vmem>> -> memref<1x64xf32, #tpu.memory_space<vmem>>
      %dma_start3A_372 = tpu.memref_squeeze %dma_start3A_371 : memref<1x64xf32, #tpu.memory_space<vmem>> -> memref<64xf32, #tpu.memory_space<vmem>>
      %dma_start3A_373 = arith.constant 0 : i32
      %dma_start3A_374 = tpu.memref_slice %arg2[%shift_right_logical3A_363, %and3A_365, %dma_start3A_373] : memref<125000x8x64xf32, #tpu.memory_space<hbm>> -> memref<1x1x64xf32, #tpu.memory_space<hbm>>
      %dma_start3A_375 = tpu.memref_squeeze %dma_start3A_374 : memref<1x1x64xf32, #tpu.memory_space<hbm>> -> memref<64xf32, #tpu.memory_space<hbm>>
      %dma_start3A_376 = arith.constant 0 : i32
      %dma_start3A_377 = tpu.memref_slice %arg6[%add3A_369, %dma_start3A_376] : memref<512x64xf32, #tpu.memory_space<vmem>> -> memref<1x64xf32, #tpu.memory_space<vmem>>
      %dma_start3A_378 = tpu.memref_squeeze %dma_start3A_377 : memref<1x64xf32, #tpu.memory_space<vmem>> -> memref<64xf32, #tpu.memory_space<vmem>>
      %dma_start3A_379 = arith.constant 0 : i32
      %dma_start3A_380 = tpu.memref_slice %arg2[%shift_right_logical3A_363, %and3A_365, %dma_start3A_379] : memref<125000x8x64xf32, #tpu.memory_space<hbm>> -> memref<1x1x64xf32, #tpu.memory_space<hbm>>
      %dma_start3A_381 = tpu.memref_squeeze %dma_start3A_380 : memref<1x1x64xf32, #tpu.memory_space<hbm>> -> memref<64xf32, #tpu.memory_space<hbm>>
      tpu.enqueue_dma source(%dma_start3A_381 : memref<64xf32, #tpu.memory_space<hbm>>) target(%dma_start3A_378 : memref<64xf32, #tpu.memory_space<vmem>>) target_semaphore(%arg8 : memref<!tpu.dma_semaphore, #tpu.memory_space<semaphore_mem>>)
      %eq3A_382 = arith.constant 12 : i32
      %eq3A_383 = vector.broadcast %eq3A_382 : i32 to vector<16xi32>
      %eq3A_384 = arith.cmpi eq, %iota3A, %eq3A_383 : vector<16xi32>
      %jit3A_385 = arith.constant 0 : i32
      %broadcast_in_dim3A_386 = vector.broadcast %jit3A_385 : i32 to vector<16xi32>
      %select_n3A_387 = arith.select %eq3A_384, %get3A_28, %broadcast_in_dim3A_386 : vector<16xi1>, vector<16xi32>
      %reduce_sum3A_388 = arith.constant true
      %reduce_sum3A_389 = vector.broadcast %reduce_sum3A_388 : i1 to vector<16xi1>
      %reduce_sum3A_390 = tpu.scan <sum>, %select_n3A_387 masked %reduce_sum3A_389 : vector<16xi32>, vector<16xi1> -> vector<16xi32>
      %reduce_sum3A_391 = vector.extract %reduce_sum3A_390[15] : i32 from vector<16xi32>
      %shift_right_logical3A_392 = arith.constant 3 : i32
      %shift_right_logical3A_393 = arith.shrui %reduce_sum3A_391, %shift_right_logical3A_392 : i32
      %and3A_394 = arith.constant 7 : i32
      %and3A_395 = arith.andi %reduce_sum3A_391, %and3A_394 : i32
      %mul3A_396 = arith.constant 16 : i32
      %mul3A_397 = arith.muli %add3A_25, %mul3A_396 : i32
      %add3A_398 = arith.constant 12 : i32
      %add3A_399 = arith.addi %mul3A_397, %add3A_398 : i32
      %dma_start3A_400 = arith.constant 0 : i32
      %dma_start3A_401 = tpu.memref_slice %arg6[%add3A_399, %dma_start3A_400] : memref<512x64xf32, #tpu.memory_space<vmem>> -> memref<1x64xf32, #tpu.memory_space<vmem>>
      %dma_start3A_402 = tpu.memref_squeeze %dma_start3A_401 : memref<1x64xf32, #tpu.memory_space<vmem>> -> memref<64xf32, #tpu.memory_space<vmem>>
      %dma_start3A_403 = arith.constant 0 : i32
      %dma_start3A_404 = tpu.memref_slice %arg2[%shift_right_logical3A_393, %and3A_395, %dma_start3A_403] : memref<125000x8x64xf32, #tpu.memory_space<hbm>> -> memref<1x1x64xf32, #tpu.memory_space<hbm>>
      %dma_start3A_405 = tpu.memref_squeeze %dma_start3A_404 : memref<1x1x64xf32, #tpu.memory_space<hbm>> -> memref<64xf32, #tpu.memory_space<hbm>>
      %dma_start3A_406 = arith.constant 0 : i32
      %dma_start3A_407 = tpu.memref_slice %arg6[%add3A_399, %dma_start3A_406] : memref<512x64xf32, #tpu.memory_space<vmem>> -> memref<1x64xf32, #tpu.memory_space<vmem>>
      %dma_start3A_408 = tpu.memref_squeeze %dma_start3A_407 : memref<1x64xf32, #tpu.memory_space<vmem>> -> memref<64xf32, #tpu.memory_space<vmem>>
      %dma_start3A_409 = arith.constant 0 : i32
      %dma_start3A_410 = tpu.memref_slice %arg2[%shift_right_logical3A_393, %and3A_395, %dma_start3A_409] : memref<125000x8x64xf32, #tpu.memory_space<hbm>> -> memref<1x1x64xf32, #tpu.memory_space<hbm>>
      %dma_start3A_411 = tpu.memref_squeeze %dma_start3A_410 : memref<1x1x64xf32, #tpu.memory_space<hbm>> -> memref<64xf32, #tpu.memory_space<hbm>>
      tpu.enqueue_dma source(%dma_start3A_411 : memref<64xf32, #tpu.memory_space<hbm>>) target(%dma_start3A_408 : memref<64xf32, #tpu.memory_space<vmem>>) target_semaphore(%arg8 : memref<!tpu.dma_semaphore, #tpu.memory_space<semaphore_mem>>)
      %eq3A_412 = arith.constant 13 : i32
      %eq3A_413 = vector.broadcast %eq3A_412 : i32 to vector<16xi32>
      %eq3A_414 = arith.cmpi eq, %iota3A, %eq3A_413 : vector<16xi32>
      %jit3A_415 = arith.constant 0 : i32
      %broadcast_in_dim3A_416 = vector.broadcast %jit3A_415 : i32 to vector<16xi32>
      %select_n3A_417 = arith.select %eq3A_414, %get3A_28, %broadcast_in_dim3A_416 : vector<16xi1>, vector<16xi32>
      %reduce_sum3A_418 = arith.constant true
      %reduce_sum3A_419 = vector.broadcast %reduce_sum3A_418 : i1 to vector<16xi1>
      %reduce_sum3A_420 = tpu.scan <sum>, %select_n3A_417 masked %reduce_sum3A_419 : vector<16xi32>, vector<16xi1> -> vector<16xi32>
      %reduce_sum3A_421 = vector.extract %reduce_sum3A_420[15] : i32 from vector<16xi32>
      %shift_right_logical3A_422 = arith.constant 3 : i32
      %shift_right_logical3A_423 = arith.shrui %reduce_sum3A_421, %shift_right_logical3A_422 : i32
      %and3A_424 = arith.constant 7 : i32
      %and3A_425 = arith.andi %reduce_sum3A_421, %and3A_424 : i32
      %mul3A_426 = arith.constant 16 : i32
      %mul3A_427 = arith.muli %add3A_25, %mul3A_426 : i32
      %add3A_428 = arith.constant 13 : i32
      %add3A_429 = arith.addi %mul3A_427, %add3A_428 : i32
      %dma_start3A_430 = arith.constant 0 : i32
      %dma_start3A_431 = tpu.memref_slice %arg6[%add3A_429, %dma_start3A_430] : memref<512x64xf32, #tpu.memory_space<vmem>> -> memref<1x64xf32, #tpu.memory_space<vmem>>
      %dma_start3A_432 = tpu.memref_squeeze %dma_start3A_431 : memref<1x64xf32, #tpu.memory_space<vmem>> -> memref<64xf32, #tpu.memory_space<vmem>>
      %dma_start3A_433 = arith.constant 0 : i32
      %dma_start3A_434 = tpu.memref_slice %arg2[%shift_right_logical3A_423, %and3A_425, %dma_start3A_433] : memref<125000x8x64xf32, #tpu.memory_space<hbm>> -> memref<1x1x64xf32, #tpu.memory_space<hbm>>
      %dma_start3A_435 = tpu.memref_squeeze %dma_start3A_434 : memref<1x1x64xf32, #tpu.memory_space<hbm>> -> memref<64xf32, #tpu.memory_space<hbm>>
      %dma_start3A_436 = arith.constant 0 : i32
      %dma_start3A_437 = tpu.memref_slice %arg6[%add3A_429, %dma_start3A_436] : memref<512x64xf32, #tpu.memory_space<vmem>> -> memref<1x64xf32, #tpu.memory_space<vmem>>
      %dma_start3A_438 = tpu.memref_squeeze %dma_start3A_437 : memref<1x64xf32, #tpu.memory_space<vmem>> -> memref<64xf32, #tpu.memory_space<vmem>>
      %dma_start3A_439 = arith.constant 0 : i32
      %dma_start3A_440 = tpu.memref_slice %arg2[%shift_right_logical3A_423, %and3A_425, %dma_start3A_439] : memref<125000x8x64xf32, #tpu.memory_space<hbm>> -> memref<1x1x64xf32, #tpu.memory_space<hbm>>
      %dma_start3A_441 = tpu.memref_squeeze %dma_start3A_440 : memref<1x1x64xf32, #tpu.memory_space<hbm>> -> memref<64xf32, #tpu.memory_space<hbm>>
      tpu.enqueue_dma source(%dma_start3A_441 : memref<64xf32, #tpu.memory_space<hbm>>) target(%dma_start3A_438 : memref<64xf32, #tpu.memory_space<vmem>>) target_semaphore(%arg8 : memref<!tpu.dma_semaphore, #tpu.memory_space<semaphore_mem>>)
      %eq3A_442 = arith.constant 14 : i32
      %eq3A_443 = vector.broadcast %eq3A_442 : i32 to vector<16xi32>
      %eq3A_444 = arith.cmpi eq, %iota3A, %eq3A_443 : vector<16xi32>
      %jit3A_445 = arith.constant 0 : i32
      %broadcast_in_dim3A_446 = vector.broadcast %jit3A_445 : i32 to vector<16xi32>
      %select_n3A_447 = arith.select %eq3A_444, %get3A_28, %broadcast_in_dim3A_446 : vector<16xi1>, vector<16xi32>
      %reduce_sum3A_448 = arith.constant true
      %reduce_sum3A_449 = vector.broadcast %reduce_sum3A_448 : i1 to vector<16xi1>
      %reduce_sum3A_450 = tpu.scan <sum>, %select_n3A_447 masked %reduce_sum3A_449 : vector<16xi32>, vector<16xi1> -> vector<16xi32>
      %reduce_sum3A_451 = vector.extract %reduce_sum3A_450[15] : i32 from vector<16xi32>
      %shift_right_logical3A_452 = arith.constant 3 : i32
      %shift_right_logical3A_453 = arith.shrui %reduce_sum3A_451, %shift_right_logical3A_452 : i32
      %and3A_454 = arith.constant 7 : i32
      %and3A_455 = arith.andi %reduce_sum3A_451, %and3A_454 : i32
      %mul3A_456 = arith.constant 16 : i32
      %mul3A_457 = arith.muli %add3A_25, %mul3A_456 : i32
      %add3A_458 = arith.constant 14 : i32
      %add3A_459 = arith.addi %mul3A_457, %add3A_458 : i32
      %dma_start3A_460 = arith.constant 0 : i32
      %dma_start3A_461 = tpu.memref_slice %arg6[%add3A_459, %dma_start3A_460] : memref<512x64xf32, #tpu.memory_space<vmem>> -> memref<1x64xf32, #tpu.memory_space<vmem>>
      %dma_start3A_462 = tpu.memref_squeeze %dma_start3A_461 : memref<1x64xf32, #tpu.memory_space<vmem>> -> memref<64xf32, #tpu.memory_space<vmem>>
      %dma_start3A_463 = arith.constant 0 : i32
      %dma_start3A_464 = tpu.memref_slice %arg2[%shift_right_logical3A_453, %and3A_455, %dma_start3A_463] : memref<125000x8x64xf32, #tpu.memory_space<hbm>> -> memref<1x1x64xf32, #tpu.memory_space<hbm>>
      %dma_start3A_465 = tpu.memref_squeeze %dma_start3A_464 : memref<1x1x64xf32, #tpu.memory_space<hbm>> -> memref<64xf32, #tpu.memory_space<hbm>>
      %dma_start3A_466 = arith.constant 0 : i32
      %dma_start3A_467 = tpu.memref_slice %arg6[%add3A_459, %dma_start3A_466] : memref<512x64xf32, #tpu.memory_space<vmem>> -> memref<1x64xf32, #tpu.memory_space<vmem>>
      %dma_start3A_468 = tpu.memref_squeeze %dma_start3A_467 : memref<1x64xf32, #tpu.memory_space<vmem>> -> memref<64xf32, #tpu.memory_space<vmem>>
      %dma_start3A_469 = arith.constant 0 : i32
      %dma_start3A_470 = tpu.memref_slice %arg2[%shift_right_logical3A_453, %and3A_455, %dma_start3A_469] : memref<125000x8x64xf32, #tpu.memory_space<hbm>> -> memref<1x1x64xf32, #tpu.memory_space<hbm>>
      %dma_start3A_471 = tpu.memref_squeeze %dma_start3A_470 : memref<1x1x64xf32, #tpu.memory_space<hbm>> -> memref<64xf32, #tpu.memory_space<hbm>>
      tpu.enqueue_dma source(%dma_start3A_471 : memref<64xf32, #tpu.memory_space<hbm>>) target(%dma_start3A_468 : memref<64xf32, #tpu.memory_space<vmem>>) target_semaphore(%arg8 : memref<!tpu.dma_semaphore, #tpu.memory_space<semaphore_mem>>)
      %eq3A_472 = arith.constant 15 : i32
      %eq3A_473 = vector.broadcast %eq3A_472 : i32 to vector<16xi32>
      %eq3A_474 = arith.cmpi eq, %iota3A, %eq3A_473 : vector<16xi32>
      %jit3A_475 = arith.constant 0 : i32
      %broadcast_in_dim3A_476 = vector.broadcast %jit3A_475 : i32 to vector<16xi32>
      %select_n3A_477 = arith.select %eq3A_474, %get3A_28, %broadcast_in_dim3A_476 : vector<16xi1>, vector<16xi32>
      %reduce_sum3A_478 = arith.constant true
      %reduce_sum3A_479 = vector.broadcast %reduce_sum3A_478 : i1 to vector<16xi1>
      %reduce_sum3A_480 = tpu.scan <sum>, %select_n3A_477 masked %reduce_sum3A_479 : vector<16xi32>, vector<16xi1> -> vector<16xi32>
      %reduce_sum3A_481 = vector.extract %reduce_sum3A_480[15] : i32 from vector<16xi32>
      %shift_right_logical3A_482 = arith.constant 3 : i32
      %shift_right_logical3A_483 = arith.shrui %reduce_sum3A_481, %shift_right_logical3A_482 : i32
      %and3A_484 = arith.constant 7 : i32
      %and3A_485 = arith.andi %reduce_sum3A_481, %and3A_484 : i32
      %mul3A_486 = arith.constant 16 : i32
      %mul3A_487 = arith.muli %add3A_25, %mul3A_486 : i32
      %add3A_488 = arith.constant 15 : i32
      %add3A_489 = arith.addi %mul3A_487, %add3A_488 : i32
      %dma_start3A_490 = arith.constant 0 : i32
      %dma_start3A_491 = tpu.memref_slice %arg6[%add3A_489, %dma_start3A_490] : memref<512x64xf32, #tpu.memory_space<vmem>> -> memref<1x64xf32, #tpu.memory_space<vmem>>
      %dma_start3A_492 = tpu.memref_squeeze %dma_start3A_491 : memref<1x64xf32, #tpu.memory_space<vmem>> -> memref<64xf32, #tpu.memory_space<vmem>>
      %dma_start3A_493 = arith.constant 0 : i32
      %dma_start3A_494 = tpu.memref_slice %arg2[%shift_right_logical3A_483, %and3A_485, %dma_start3A_493] : memref<125000x8x64xf32, #tpu.memory_space<hbm>> -> memref<1x1x64xf32, #tpu.memory_space<hbm>>
      %dma_start3A_495 = tpu.memref_squeeze %dma_start3A_494 : memref<1x1x64xf32, #tpu.memory_space<hbm>> -> memref<64xf32, #tpu.memory_space<hbm>>
      %dma_start3A_496 = arith.constant 0 : i32
      %dma_start3A_497 = tpu.memref_slice %arg6[%add3A_489, %dma_start3A_496] : memref<512x64xf32, #tpu.memory_space<vmem>> -> memref<1x64xf32, #tpu.memory_space<vmem>>
      %dma_start3A_498 = tpu.memref_squeeze %dma_start3A_497 : memref<1x64xf32, #tpu.memory_space<vmem>> -> memref<64xf32, #tpu.memory_space<vmem>>
      %dma_start3A_499 = arith.constant 0 : i32
      %dma_start3A_500 = tpu.memref_slice %arg2[%shift_right_logical3A_483, %and3A_485, %dma_start3A_499] : memref<125000x8x64xf32, #tpu.memory_space<hbm>> -> memref<1x1x64xf32, #tpu.memory_space<hbm>>
      %dma_start3A_501 = tpu.memref_squeeze %dma_start3A_500 : memref<1x1x64xf32, #tpu.memory_space<hbm>> -> memref<64xf32, #tpu.memory_space<hbm>>
      tpu.enqueue_dma source(%dma_start3A_501 : memref<64xf32, #tpu.memory_space<hbm>>) target(%dma_start3A_498 : memref<64xf32, #tpu.memory_space<vmem>>) target_semaphore(%arg8 : memref<!tpu.dma_semaphore, #tpu.memory_space<semaphore_mem>>)
    }
    %scan3A_16 = arith.constant 32 : i32
    %dma_wait3A_17 = arith.constant 0 : i32
    %dma_wait3A_18 = tpu.memref_slice %arg4[%mul3A_2, %dma_wait3A_17] : memref<16384x64xf32, #tpu.memory_space<hbm>> -> memref<512x64xf32, #tpu.memory_space<hbm>>
    %dma_wait3A_19 = arith.constant 0 : i32
    %dma_wait3A_20 = tpu.memref_slice %arg4[%mul3A_2, %dma_wait3A_19] : memref<16384x64xf32, #tpu.memory_space<hbm>> -> memref<512x64xf32, #tpu.memory_space<hbm>>
    tpu.wait_dma2 semaphore(%arg8 : memref<!tpu.dma_semaphore, #tpu.memory_space<semaphore_mem>>) src(%dma_wait3A_20 : memref<512x64xf32, #tpu.memory_space<hbm>>) dst(%arg6 : memref<512x64xf32, #tpu.memory_space<vmem>>)
    "tpu.region"() ({
      %run_scoped3A = tpu.sem_alloc : memref<!tpu.dma_semaphore, #tpu.memory_space<semaphore_mem>>
      %dma_start3A_21 = arith.constant 0 : i32
      %dma_start3A_22 = tpu.memref_slice %arg4[%mul3A_2, %dma_start3A_21] : memref<16384x64xf32, #tpu.memory_space<hbm>> -> memref<512x64xf32, #tpu.memory_space<hbm>>
      %dma_start3A_23 = arith.constant 0 : i32
      %dma_start3A_24 = tpu.memref_slice %arg4[%mul3A_2, %dma_start3A_23] : memref<16384x64xf32, #tpu.memory_space<hbm>> -> memref<512x64xf32, #tpu.memory_space<hbm>>
      tpu.enqueue_dma source(%arg6 : memref<512x64xf32, #tpu.memory_space<vmem>>) target(%dma_start3A_24 : memref<512x64xf32, #tpu.memory_space<hbm>>) target_semaphore(%run_scoped3A : memref<!tpu.dma_semaphore, #tpu.memory_space<semaphore_mem>>)
      %dma_wait3A_25 = arith.constant 0 : i32
      %dma_wait3A_26 = tpu.memref_slice %arg4[%mul3A_2, %dma_wait3A_25] : memref<16384x64xf32, #tpu.memory_space<hbm>> -> memref<512x64xf32, #tpu.memory_space<hbm>>
      %dma_wait3A_27 = arith.constant 0 : i32
      %dma_wait3A_28 = tpu.memref_slice %arg4[%mul3A_2, %dma_wait3A_27] : memref<16384x64xf32, #tpu.memory_space<hbm>> -> memref<512x64xf32, #tpu.memory_space<hbm>>
      tpu.wait_dma2 semaphore(%run_scoped3A : memref<!tpu.dma_semaphore, #tpu.memory_space<semaphore_mem>>) src(%arg6 : memref<512x64xf32, #tpu.memory_space<vmem>>) dst(%dma_wait3A_28 : memref<512x64xf32, #tpu.memory_space<hbm>>)
      tpu.yield
    }) : () -> ()
    return
  }
}

module attributes {stable_mosaic.version = 14 : i64} {
  func.func @body(%arg0: i32, %arg1: memref<4096x64xf32, #tpu.memory_space<vmem>>, %arg2: memref<4096x1xf32, #tpu.memory_space<vmem>>, %arg3: memref<64x12xf32, #tpu.memory_space<vmem>>, %arg4: memref<1x12xf32, #tpu.memory_space<vmem>>, %arg5: memref<1x12xf32, #tpu.memory_space<vmem>>, %arg6: memref<4096x12xf32, #tpu.memory_space<vmem>>) attributes {dimension_semantics = [#tpu.dimension_semantics<arbitrary>], iteration_bounds = array<i64: 4>, scalar_prefetch = 0 : i64, scratch_operands = 0 : i64, tpu.core_type = #tpu.core_type<tc>, window_params = [{transform_indices = @transform_0, window_bounds = array<i64: 4096, 64>}, {transform_indices = @transform_1, window_bounds = array<i64: 4096, 1>}, {pipeline_mode = #tpu.pipeline_mode<synchronous>, transform_indices = @transform_2, window_bounds = array<i64: 64, 12>}, {pipeline_mode = #tpu.pipeline_mode<synchronous>, transform_indices = @transform_3, window_bounds = array<i64: 1, 12>}, {pipeline_mode = #tpu.pipeline_mode<synchronous>, transform_indices = @transform_4, window_bounds = array<i64: 1, 12>}, {transform_indices = @transform_5, window_bounds = array<i64: 4096, 12>}]} {
    %get3A = arith.constant 0 : index
    %get3A_0 = arith.constant 0 : index
    %get3A_1 = vector.load %arg1[%get3A, %get3A_0] : memref<4096x64xf32, #tpu.memory_space<vmem>>, vector<4096x64xf32>
    %get3A_2 = arith.constant 0 : index
    %get3A_3 = arith.constant 0 : index
    %get3A_4 = vector.load %arg3[%get3A_2, %get3A_3] : memref<64x12xf32, #tpu.memory_space<vmem>>, vector<64x12xf32>
    %dot_general3A = arith.constant dense<0.000000e+00> : vector<4096x12xf32>
    %dot_general3A_5 = tpu.matmul %get3A_1, %get3A_4, %dot_general3A {dimension_numbers = #tpu.dot_dimension_numbers<[1], [0], [0], [1], [0, 0, 1, 1], [], []>, transpose_lhs_hint = false} : vector<4096x64xf32>, vector<64x12xf32>, vector<4096x12xf32> -> vector<4096x12xf32>
    %get3A_6 = arith.constant 0 : index
    %get3A_7 = arith.constant 0 : index
    %get3A_8 = vector.load %arg4[%get3A_6, %get3A_7] : memref<1x12xf32, #tpu.memory_space<vmem>>, vector<1x12xf32>
    %add3A = vector.broadcast %get3A_8 : vector<1x12xf32> to vector<4096x12xf32>
    %add3A_9 = arith.addf %dot_general3A_5, %add3A : vector<4096x12xf32>
    %get3A_10 = arith.constant 0 : index
    %get3A_11 = arith.constant 0 : index
    %get3A_12 = vector.load %arg2[%get3A_10, %get3A_11] : memref<4096x1xf32, #tpu.memory_space<vmem>>, vector<4096x1xf32>
    %get3A_13 = arith.constant 0 : index
    %get3A_14 = arith.constant 0 : index
    %get3A_15 = vector.load %arg5[%get3A_13, %get3A_14] : memref<1x12xf32, #tpu.memory_space<vmem>>, vector<1x12xf32>
    %mul3A = vector.broadcast %get3A_12 : vector<4096x1xf32> to vector<4096x12xf32>
    %mul3A_16 = vector.broadcast %get3A_15 : vector<1x12xf32> to vector<4096x12xf32>
    %mul3A_17 = arith.mulf %mul3A, %mul3A_16 : vector<4096x12xf32>
    %add3A_18 = arith.addf %add3A_9, %mul3A_17 : vector<4096x12xf32>
    %slice3A = vector.extract_strided_slice %add3A_18 {offsets = [0, 0], sizes = [4096, 2], strides = [1, 1]} : vector<4096x12xf32> to vector<4096x2xf32>
    %reduce_max3A = arith.constant dense<0xFF800000> : vector<4096xf32>
    %reduce_max3A_19 = vector.multi_reduction <maximumf>, %slice3A, %reduce_max3A [1] : vector<4096x2xf32> to vector<4096xf32>
    %max3A = arith.constant 0xFF800000 : f32
    %max3A_20 = vector.broadcast %max3A : f32 to vector<4096xf32>
    %max3A_21 = arith.maximumf %max3A_20, %reduce_max3A_19 : vector<4096xf32>
    %broadcast_in_dim3A = vector.shape_cast %max3A_21 : vector<4096xf32> to vector<4096x1xf32>
    %sub3A = vector.broadcast %broadcast_in_dim3A : vector<4096x1xf32> to vector<4096x2xf32>
    %sub3A_22 = arith.subf %slice3A, %sub3A : vector<4096x2xf32>
    %exp3A = math.exp %sub3A_22 : vector<4096x2xf32>
    %reduce_sum3A = arith.constant dense<0.000000e+00> : vector<4096xf32>
    %reduce_sum3A_23 = vector.multi_reduction <add>, %exp3A, %reduce_sum3A [1] : vector<4096x2xf32> to vector<4096xf32>
    %broadcast_in_dim3A_24 = vector.shape_cast %reduce_sum3A_23 : vector<4096xf32> to vector<4096x1xf32>
    %log3A = math.log %broadcast_in_dim3A_24 : vector<4096x1xf32>
    %sub3A_25 = vector.broadcast %log3A : vector<4096x1xf32> to vector<4096x2xf32>
    %sub3A_26 = arith.subf %sub3A_22, %sub3A_25 : vector<4096x2xf32>
    %slice3A_27 = vector.extract_strided_slice %add3A_18 {offsets = [0, 4], sizes = [4096, 2], strides = [1, 1]} : vector<4096x12xf32> to vector<4096x2xf32>
    %custom_jvp_call3A = arith.constant 0.000000e+00 : f32
    %max3A_28 = vector.broadcast %custom_jvp_call3A : f32 to vector<4096x2xf32>
    %max3A_29 = arith.maximumf %slice3A_27, %max3A_28 : vector<4096x2xf32>
    %sub3A_30 = vector.broadcast %custom_jvp_call3A : f32 to vector<4096x2xf32>
    %sub3A_31 = arith.subf %slice3A_27, %sub3A_30 : vector<4096x2xf32>
    %ne3A = arith.cmpf one, %sub3A_31, %sub3A_31 : vector<4096x2xf32>
    %add3A_32 = vector.broadcast %custom_jvp_call3A : f32 to vector<4096x2xf32>
    %add3A_33 = arith.addf %slice3A_27, %add3A_32 : vector<4096x2xf32>
    %abs3A = math.absf %sub3A_31 : vector<4096x2xf32>
    %neg3A = arith.constant 0.000000e+00 : f32
    %neg3A_34 = vector.broadcast %neg3A : f32 to vector<4096x2xf32>
    %neg3A_35 = arith.subf %neg3A_34, %abs3A : vector<4096x2xf32>
    %exp3A_36 = math.exp %neg3A_35 : vector<4096x2xf32>
    %log1p3A = math.log1p %exp3A_36 : vector<4096x2xf32>
    %add3A_37 = arith.addf %max3A_29, %log1p3A : vector<4096x2xf32>
    %select_n3A = arith.select %ne3A, %add3A_33, %add3A_37 : vector<4096x2xi1>, vector<4096x2xf32>
    %add3A_38 = arith.constant 9.99999997E-7 : f32
    %add3A_39 = vector.broadcast %add3A_38 : f32 to vector<4096x2xf32>
    %add3A_40 = arith.addf %select_n3A, %add3A_39 : vector<4096x2xf32>
    %slice3A_41 = vector.extract_strided_slice %add3A_18 {offsets = [0, 6], sizes = [4096, 2], strides = [1, 1]} : vector<4096x12xf32> to vector<4096x2xf32>
    %reduce_max3A_42 = arith.constant dense<0xFF800000> : vector<4096xf32>
    %reduce_max3A_43 = vector.multi_reduction <maximumf>, %slice3A_41, %reduce_max3A_42 [1] : vector<4096x2xf32> to vector<4096xf32>
    %max3A_44 = arith.constant 0xFF800000 : f32
    %max3A_45 = vector.broadcast %max3A_44 : f32 to vector<4096xf32>
    %max3A_46 = arith.maximumf %max3A_45, %reduce_max3A_43 : vector<4096xf32>
    %broadcast_in_dim3A_47 = vector.shape_cast %max3A_46 : vector<4096xf32> to vector<4096x1xf32>
    %sub3A_48 = vector.broadcast %broadcast_in_dim3A_47 : vector<4096x1xf32> to vector<4096x2xf32>
    %sub3A_49 = arith.subf %slice3A_41, %sub3A_48 : vector<4096x2xf32>
    %exp3A_50 = math.exp %sub3A_49 : vector<4096x2xf32>
    %reduce_sum3A_51 = arith.constant dense<0.000000e+00> : vector<4096xf32>
    %reduce_sum3A_52 = vector.multi_reduction <add>, %exp3A_50, %reduce_sum3A_51 [1] : vector<4096x2xf32> to vector<4096xf32>
    %broadcast_in_dim3A_53 = vector.shape_cast %reduce_sum3A_52 : vector<4096xf32> to vector<4096x1xf32>
    %log3A_54 = math.log %broadcast_in_dim3A_53 : vector<4096x1xf32>
    %sub3A_55 = vector.broadcast %log3A_54 : vector<4096x1xf32> to vector<4096x2xf32>
    %sub3A_56 = arith.subf %sub3A_49, %sub3A_55 : vector<4096x2xf32>
    %slice3A_57 = vector.extract_strided_slice %add3A_18 {offsets = [0, 10], sizes = [4096, 2], strides = [1, 1]} : vector<4096x12xf32> to vector<4096x2xf32>
    %custom_jvp_call3A_58 = arith.constant 0.000000e+00 : f32
    %max3A_59 = vector.broadcast %custom_jvp_call3A_58 : f32 to vector<4096x2xf32>
    %max3A_60 = arith.maximumf %slice3A_57, %max3A_59 : vector<4096x2xf32>
    %sub3A_61 = vector.broadcast %custom_jvp_call3A_58 : f32 to vector<4096x2xf32>
    %sub3A_62 = arith.subf %slice3A_57, %sub3A_61 : vector<4096x2xf32>
    %ne3A_63 = arith.cmpf one, %sub3A_62, %sub3A_62 : vector<4096x2xf32>
    %add3A_64 = vector.broadcast %custom_jvp_call3A_58 : f32 to vector<4096x2xf32>
    %add3A_65 = arith.addf %slice3A_57, %add3A_64 : vector<4096x2xf32>
    %abs3A_66 = math.absf %sub3A_62 : vector<4096x2xf32>
    %neg3A_67 = arith.constant 0.000000e+00 : f32
    %neg3A_68 = vector.broadcast %neg3A_67 : f32 to vector<4096x2xf32>
    %neg3A_69 = arith.subf %neg3A_68, %abs3A_66 : vector<4096x2xf32>
    %exp3A_70 = math.exp %neg3A_69 : vector<4096x2xf32>
    %log1p3A_71 = math.log1p %exp3A_70 : vector<4096x2xf32>
    %add3A_72 = arith.addf %max3A_60, %log1p3A_71 : vector<4096x2xf32>
    %select_n3A_73 = arith.select %ne3A_63, %add3A_65, %add3A_72 : vector<4096x2xi1>, vector<4096x2xf32>
    %add3A_74 = arith.constant 9.99999997E-7 : f32
    %add3A_75 = vector.broadcast %add3A_74 : f32 to vector<4096x2xf32>
    %add3A_76 = arith.addf %select_n3A_73, %add3A_75 : vector<4096x2xf32>
    %swap3A = arith.constant 0 : index
    %swap3A_77 = arith.constant 0 : index
    %swap3A_78 = vector.load %arg6[%swap3A, %swap3A_77] : memref<4096x12xf32, #tpu.memory_space<vmem>>, vector<4096x2xf32>
    tpu.vector_store %arg6[%swap3A, %swap3A_77], %sub3A_26 {strides = array<i32>} : memref<4096x12xf32, #tpu.memory_space<vmem>>, vector<4096x2xf32>,
    %slice3A_79 = vector.extract_strided_slice %add3A_18 {offsets = [0, 2], sizes = [4096, 2], strides = [1, 1]} : vector<4096x12xf32> to vector<4096x2xf32>
    %swap3A_80 = arith.constant 0 : index
    %swap3A_81 = arith.constant 2 : index
    %swap3A_82 = vector.load %arg6[%swap3A_80, %swap3A_81] : memref<4096x12xf32, #tpu.memory_space<vmem>>, vector<4096x2xf32>
    tpu.vector_store %arg6[%swap3A_80, %swap3A_81], %slice3A_79 {strides = array<i32>} : memref<4096x12xf32, #tpu.memory_space<vmem>>, vector<4096x2xf32>,
    %swap3A_83 = arith.constant 0 : index
    %swap3A_84 = arith.constant 4 : index
    %swap3A_85 = vector.load %arg6[%swap3A_83, %swap3A_84] : memref<4096x12xf32, #tpu.memory_space<vmem>>, vector<4096x2xf32>
    tpu.vector_store %arg6[%swap3A_83, %swap3A_84], %add3A_40 {strides = array<i32>} : memref<4096x12xf32, #tpu.memory_space<vmem>>, vector<4096x2xf32>,
    %swap3A_86 = arith.constant 0 : index
    %swap3A_87 = arith.constant 6 : index
    %swap3A_88 = vector.load %arg6[%swap3A_86, %swap3A_87] : memref<4096x12xf32, #tpu.memory_space<vmem>>, vector<4096x2xf32>
    tpu.vector_store %arg6[%swap3A_86, %swap3A_87], %sub3A_56 {strides = array<i32>} : memref<4096x12xf32, #tpu.memory_space<vmem>>, vector<4096x2xf32>,
    %slice3A_89 = vector.extract_strided_slice %add3A_18 {offsets = [0, 8], sizes = [4096, 2], strides = [1, 1]} : vector<4096x12xf32> to vector<4096x2xf32>
    %swap3A_90 = arith.constant 0 : index
    %swap3A_91 = arith.constant 8 : index
    %swap3A_92 = vector.load %arg6[%swap3A_90, %swap3A_91] : memref<4096x12xf32, #tpu.memory_space<vmem>>, vector<4096x2xf32>
    tpu.vector_store %arg6[%swap3A_90, %swap3A_91], %slice3A_89 {strides = array<i32>} : memref<4096x12xf32, #tpu.memory_space<vmem>>, vector<4096x2xf32>,
    %swap3A_93 = arith.constant 0 : index
    %swap3A_94 = arith.constant 10 : index
    %swap3A_95 = vector.load %arg6[%swap3A_93, %swap3A_94] : memref<4096x12xf32, #tpu.memory_space<vmem>>, vector<4096x2xf32>
    tpu.vector_store %arg6[%swap3A_93, %swap3A_94], %add3A_76 {strides = array<i32>} : memref<4096x12xf32, #tpu.memory_space<vmem>>, vector<4096x2xf32>,
    return
  }
  func.func @transform_0(%arg0: i32) -> (i32, i32) {
    %c0_i32 = arith.constant 0 : i32
    %c0_i32_0 = arith.constant 0 : i32
    return %arg0, %c0_i32 : i32, i32
  }
  func.func @transform_1(%arg0: i32) -> (i32, i32) {
    %c0_i32 = arith.constant 0 : i32
    %c0_i32_0 = arith.constant 0 : i32
    return %arg0, %c0_i32 : i32, i32
  }
  func.func @transform_2(%arg0: i32) -> (i32, i32) {
    %c0_i32 = arith.constant 0 : i32
    %c0_i32_0 = arith.constant 0 : i32
    %c0_i32_1 = arith.constant 0 : i32
    return %c0_i32, %c0_i32_0 : i32, i32
  }
  func.func @transform_3(%arg0: i32) -> (i32, i32) {
    %c0_i32 = arith.constant 0 : i32
    %c0_i32_0 = arith.constant 0 : i32
    %c0_i32_1 = arith.constant 0 : i32
    return %c0_i32, %c0_i32_0 : i32, i32
  }
  func.func @transform_4(%arg0: i32) -> (i32, i32) {
    %c0_i32 = arith.constant 0 : i32
    %c0_i32_0 = arith.constant 0 : i32
    %c0_i32_1 = arith.constant 0 : i32
    return %c0_i32, %c0_i32_0 : i32, i32
  }
  func.func @transform_5(%arg0: i32) -> (i32, i32) {
    %c0_i32 = arith.constant 0 : i32
    %c0_i32_0 = arith.constant 0 : i32
    return %arg0, %c0_i32 : i32, i32
  }
}

</mosaic_0001>

<sc_bundles>
// kernel: kernel.4.cloned.1.call-start
scs
__scs_entry_jumppad:
0x0: {  	(pc) =	sbr.rel $0x88, $3  }
0x1: {  	(tag) =	ssettag $0x0;
	lr =	simm.s32 $0x1  }
0x2: {  	[smem:$0x3F9A] =	sst lr;
	_ =	strace $0xD0000000  }
0x3: {  	_ = 	snop  }
0x4: {  	_ = 	snop  }
0x5: {  	_ = 	snop  }
0x6: {  	_ = 	snop  }
0x7: {  	_ = 	snop  }
__scs_overlays_trampoline_lowered:
0x8: {  	[smem:$0x3FA9] =	sst s0  }
0x9: {  	[smem:$0x3FAA] =	sst s1  }
0xa: {  	[smem:$0x3FAB] =	sst s2  }
0xb: {  	[smem:$0x3FAC] =	sst s3  }
0xc: {  	[smem:$0x3FAD] =	sst s4  }
0xd: {  	[smem:$0x3FAE] =	sst s5  }
0xe: {  	[smem:$0x3FAF] =	sst s6  }
0xf: {  	[smem:$0x3FB0] =	sst s7  }
0x10: {  	[smem:$0x3FB1] =	sst s8  }
0x11: {  	[smem:$0x3FB2] =	sst s9;
	s0 =	simm.s32 @!p0 $0x0  }
0x12: {  	s1 =	sld [smem:$0x3F98];
	s0 =	simm.s32 @p0 $0x1  }
0x13: {  	[smem:$0x3FB3] =	sst s0;
	s0 =	simm.s32 @!p1 $0x0  }
0x14: {  	s2 =	sld [smem:$0x3F97];
	s0 =	simm.s32 @p1 $0x1  }
0x15: {  	[smem:$0x3FB4] =	sst s0;
	s0 =	simm.s32 @!p2 $0x0  }
0x16: {  	s3 =	sld [smem:$0x3FDB];
	s0 =	simm.s32 @p2 $0x1  }
0x17: {  	s4 =	simm.s32 $0x1BF5;
	[smem:$0x3FB6] =	sst s0  }
0x18: {  	s0 =	sld [smem:$0x3F99];
	_ =	swait.ge [sflag:s4], $0x0  }
0x19: {  	s7 =	sld [smem:$0x3F9A]  }
0x1a: {  	s8 =	sadd.s32 $0xFFFFE003, lr  }
0x1b: {  	s9 =	sadd.s32 $0xFFFFFEF7, lr;
	s5 =	simm.s32 $0xFFFFFFFF;
	p2 =	slt.u32 s8, $0xFFFFF086  }
0x1c: {  	p1 =	slt.u32 s9, $0xF7A;
	s5 =	simm.s32 @!p2 $0x0  }
0x1d: {  	s5 =	simm.s32 @p1 $0x1;
	p0 =	seq.s32 s7, s2  }
0x1e: {  	s7 =	smul.u32 @!p0 $0xF7A, s2;
	p2 =	seq.s32 @!p0 s5, $0x0  }
0x1f: {  	s9 =	smul.u32 $0xF7A, s1;
	s8 =	simm.s32 @!p0 $0x1BF5;
	p2 =	por !p2, p0  }
0x20: {  	[sflag:s8] =	ssyncset.s32 @!p0 $0xFFFFF086;
	s6 =	sadd.s32 @!p0 s3, s7;
	s7 =	simm.s32 @!p0 $0x108  }
0x21: {  	s3 =	sadd.s32 s3, s9;
	s6 =	sadd.s32 @!p0 $0x88, s6;
	s7 =	simm.s32 @p2 $0x1082  }
0x22: {  	[simem:s7], [sflag:s8] =	dma.local @!p0 [hbm:s6], $0xF7A  }
0x23: {  	s9 =	sor.u32 $0xD0000000, s2;
	s6 =	simm.s32 $0x108;
	_ =	swait.ge @!p0 [sflag:s8], $0x0  }
0x24: {  	s3 =	sadd.s32 $0x88, s3;
	s6 =	simm.s32 @!p1 $0x1082;
	[sflag:s4] =	ssyncset.s32 $0xFFFFF086  }
0x25: {  	[simem:s6], [sflag:s4] =	dma.local [hbm:s3], $0xF7A  }
0x26: {  	[smem:$0x3F9A] =	sst s1;
	(tag) =	ssettag s2;
	_ =	strace s9  }
0x27: {  	s1 =	sld [smem:$0x3FAA]  }
0x28: {  	s2 =	sld [smem:$0x3FAB]  }
0x29: {  	s4 =	sld [smem:$0x3FAD]  }
0x2a: {  	p0 =	seq.s32 s5, $0x0;
	s5 =	sld [smem:$0x3FAE]  }
0x2b: {  	s6 =	sld [smem:$0x3FAF]  }
0x2c: {  	s7 =	sld [smem:$0x3FB0]  }
0x2d: {  	s3 =	simm.s32 $0x108;
	s8 =	sld [smem:$0x3FB1]  }
0x2e: {  	s3 =	simm.s32 @!p0 $0x1082;
	s9 =	sld [smem:$0x3FB2]  }
0x2f: {  	lr =	sadd.s32 s0, s3;
	s0 =	sld [smem:$0x3FA9]  }
0x30: {  	s3 =	sld [smem:$0x3FAC]  }
0x31: {  	[smem:$0x3FB5] =	sst s10  }
0x32: {  	s10 =	sld [smem:$0x3FB3];
	_ =	sdelay $0x3  }
0x33: {  	p0 =	seq.s32 s10, $0x1;
	s10 =	sld [smem:$0x3FB5];
	_ =	sdelay $0x3  }
0x34: {  	[smem:$0x3FB5] =	sst s10  }
0x35: {  	s10 =	sld [smem:$0x3FB4];
	_ =	sdelay $0x3  }
0x36: {  	p1 =	seq.s32 s10, $0x1;
	s10 =	sld [smem:$0x3FB5];
	_ =	sdelay $0x3  }
0x37: {  	[smem:$0x3FB5] =	sst s10  }
0x38: {  	s10 =	sld [smem:$0x3FB6]  }
0x39: {  	_ = 	snop;
	(pc) =	sbr.ind lr, $3  }
0x3a: {  	_ = 	snop  }
0x3b: {  	_ = 	snop  }
0x3c: {  	p2 =	seq.s32 s10, $0x1;
	s10 =	sld [smem:$0x3FB5]  }
0x3d: {  	_ =	shalt  }
0x3e: {  	_ =	shalt  }
0x3f: {  	_ =	shalt  }
0x40: {  	_ =	shalt  }
0x41: {  	_ =	shalt  }
0x42: {  	_ =	shalt  }
0x43: {  	_ =	shalt  }
0x44: {  	_ =	shalt  }
0x45: {  	_ =	shalt  }
0x46: {  	_ =	shalt  }
0x47: {  	_ =	shalt  }
0x48: {  	_ =	shalt  }
0x49: {  	_ =	shalt  }
0x4a: {  	_ =	shalt  }
0x4b: {  	_ =	shalt  }
0x4c: {  	_ =	shalt  }
0x4d: {  	_ =	shalt  }
0x4e: {  	_ =	shalt  }
0x4f: {  	_ =	shalt  }
0x50: {  	_ =	shalt  }
0x51: {  	_ =	shalt  }
0x52: {  	_ =	shalt  }
0x53: {  	_ =	shalt  }
0x54: {  	_ =	shalt  }
0x55: {  	_ =	shalt  }
0x56: {  	_ =	shalt  }
0x57: {  	_ =	shalt  }
0x58: {  	_ =	shalt  }
0x59: {  	_ =	shalt  }
0x5a: {  	_ =	shalt  }
0x5b: {  	_ =	shalt  }
0x5c: {  	_ =	shalt  }
0x5d: {  	_ =	shalt  }
0x5e: {  	_ =	shalt  }
0x5f: {  	_ =	shalt  }
0x60: {  	_ =	shalt  }
0x61: {  	_ =	shalt  }
0x62: {  	_ =	shalt  }
0x63: {  	_ =	shalt  }
0x64: {  	_ =	shalt  }
0x65: {  	_ =	shalt  }
0x66: {  	_ =	shalt  }
0x67: {  	_ =	shalt  }
0x68: {  	_ =	shalt  }
0x69: {  	_ =	shalt  }
0x6a: {  	_ =	shalt  }
0x6b: {  	_ =	shalt  }
0x6c: {  	_ =	shalt  }
0x6d: {  	_ =	shalt  }
0x6e: {  	_ =	shalt  }
0x6f: {  	_ =	shalt  }
0x70: {  	_ =	shalt  }
0x71: {  	_ =	shalt  }
0x72: {  	_ =	shalt  }
0x73: {  	_ =	shalt  }
0x74: {  	_ =	shalt  }
0x75: {  	_ =	shalt  }
0x76: {  	_ =	shalt  }
0x77: {  	_ =	shalt  }
0x78: {  	_ =	shalt  }
0x79: {  	_ =	shalt  }
0x7a: {  	_ =	shalt  }
0x7b: {  	_ =	shalt  }
0x7c: {  	_ =	shalt  }
0x7d: {  	_ =	shalt  }
0x7e: {  	_ =	shalt  }
0x7f: {  	_ =	shalt  }
0x80: {  	_ =	shalt  }
0x81: {  	_ =	shalt  }
0x82: {  	_ =	shalt  }
0x83: {  	_ =	shalt  }
0x84: {  	_ =	shalt  }
0x85: {  	_ =	shalt  }
0x86: {  	_ =	shalt  }
0x87: {  	_ =	shalt  }
.Lfunc_end0:
.L_simem_size_0:
called_computation_lowered:
.L_overlay_start_0:
0x88: {  	s2 =	sld [smem:$0x3FD9]  }
0x89: {  	s3 =	sld [smem:$0x3FFE];
	_ =	sdelay $0x1  }
0x8a: {  	s1 =	srdreg.scid  }
0x8b: {  	s0 =	sand.u32 $0x1, s1  }
0x8c: {  	s17 =	sshll.u32 s0, $0xA;
	s2 =	sadd.s32 s3, s2  }
0x8d: {  	s2 =	sadd.s32 s2, s17  }
0x8e: {  	[smem:$0x3FC1] =	sst s2  }
0x8f: {  	_ = 	snop  }
0x90: {  	s2 =	sld [smem:$0x3FD0];
	(tm) =	ssettm $0x1  }
0x91: {  	s18 =	sld [smem:$0x3FFB];
	_ =	sdelay $0x3  }
0x92: {  	_ =	strace s18  }
0x93: {  	s3 =	sld [smem:$0x3FFC];
	_ =	sdelay $0x3  }
0x94: {  	_ =	strace s3  }
0x95: {  	s3 =	sld [smem:$0x3FFD];
	_ =	sdelay $0x3  }
0x96: {  	_ =	strace s3  }
0x97: {  	_ =	strace $0x8FFFFFFF  }
0x98: {  	s19 =	sld [smem:$0x3FDB];
	_ =	sdelay $0x1  }
0x99: {  	s4 =	simm.s32 $_scs_section_size  }
0x9a: {  	s5 =	simm.s32 $_size__tile_overlayer_lowered;
	s6 =	simm.s32 $_tile_overlayer_lowered  }
0x9b: {  	s22 =	simm.s32 $0x1BFF;
	s21 =	sshll.u32 s6, $0x1;
	s3 =	sadd.s32 s4, s19  }
0x9c: {  	s7 =	simm.s32 $0x0;
	s20 =	sshll.u32 s5, $0x1;
	s5 =	sadd.s32 s21, s3  }
0x9d: {  	[timem:s7], [sflag:s22] =	dma.local [hbm:s5], s20  }
0x9e: {  	_ =	swait.ge [sflag:s22], s20  }
0x9f: {  	s4 =	ssub.s32 $0x0, s20;
	[sflag:s22] =	ssyncset.done $0x0  }
0xa0: {  	[sflag:s22] =	ssyncadd.s32 s4;
	_ =	sdelay $0x1  }
0xa1: {  	s23 =	simm.s32 $0x1B8B  }
0xa2: {  	_ =	swait.ge [sflag:s23], $0x1  }
0xa3: {  	[sflag:s23] =	ssyncset.done $0x0  }
0xa4: {  	s25 =	simm.s32 $0x1B8E;
	s24 =	sld [smem:$0x3FFE];
	[sflag:s23] =	ssyncadd.s32 $0xFFFFFFFF  }
0xa5: {  	s26 =	simm.s32 $execute0_lowered;
	[smem:$0x3FD2] =	sst s25  }
0xa6: {  	s5 =	sshll.u32 s26, $0x1;
	_ =	strace $0x80000046;
	[dreg:$0x1] =	wrdreg $0xFFFFFFFF  }
0xa7: {  	s28 =	simm.s32 $_size_execute0_lowered;
	s3 =	sadd.s32 s3, s5;
	[dreg:$0x0] =	wrdreg $0x0  }
0xa8: {  	s5 =	sshll.u32 s28, $0x1;
	[dreg:$0x2] =	wrdreg s3  }
0xa9: {  	[dreg:$0x3] =	wrdreg s5  }
0xaa: {  	[dreg:$0x4] =	wrdreg $0xC0  }
0xab: {  	_ =	task [dreg:s7], $0x5FFFF  }
0xac: {  	[dreg:$0x1] =	wrdreg $0xFFFFFFFF  }
0xad: {  	[dreg:$0x0] =	wrdreg $0x60  }
0xae: {  	[dreg:$0x2] =	wrdreg s24  }
0xaf: {  	[dreg:$0x3] =	wrdreg s2  }
0xb0: {  	[dreg:$0x4] =	wrdreg $0x9  }
0xb1: {  	_ =	task.clear_ibuf [dreg:s7], $0x5FFFF;
	_ =	strace $0x90000046  }
0xb2: {  	s29 =	simm.s32 $0x9;
	_ =	strace $0x80000048  }
0xb3: {  	_ =	swait.ge [sflag:s29], $0x1  }
0xb4: {  	[sflag:s29] =	ssyncadd.s32 $0xFFFFFFFF  }
0xb5: {  	_ =	strace $0x90000048  }
0xb6: {  	_ =	sfence  }
0xb7: {  	s30 =	sld [smem:$0x0];
	_ =	sdelay $0x2  }
0xb8: {  	s31 =	sshll.u32 s1, $0xD;
	s1 =	sshrl.u32 s1, $0x2  }
0xb9: {  	s3 =	sand.u32 $0x4000, s31;
	s1 =	sadd.s32 s1, s30  }
0xba: {  	s0 =	sor.u32 s3, s0;
	s1 =	sshll.u32 s1, $0x11  }
0xbb: {  	s0 =	sor.u32 s1, s0  }
0xbc: {  	s0 =	sadd.s32 $0x8F2B, s0  }
0xbd: {  	[sflag:s0] =	ssyncadd.remote.s32 $0x1  }
0xbe: {  	_ =	sfence.sel $0xFFFF  }
0xbf: {  	[dreg:$0x0] =	wrdreg $0xFFFFFFFF;
	(pc) =	sbr.abs _section_cstart, $3  }
0xc0: {  	[dreg:$0x1] =	wrdreg $0xFFFFFFFF  }
0xc1: {  	_ =	task.clear_ibuf [dreg:s7], $0x2FFFF;
	_ =	strace $0x9FFFFFFF  }
0xc2: {  	(tm) =	ssettm $0x7FFFFFFF  }
0xc3: {  	_ =	shalt  }
tec
execute0_lowered:
.L_overlay_start_1:
0x0: {  	(tag) =	ssettag $0x1  }
0x1: {  	s4 =	rddreg [dreg:$0x0]  }
0x2: {  	s5 =	rddreg [dreg:$0x1]  }
0x3: {  	s2 =	simm.s32 $0x0;
	s3 =	srdreg.scid;
	s0 =	stileid.u32  }
0x4: {  	s12 =	simm.s32 $0x3;
	s13 =	simm.s32 $0x0;
	[smem:$0x7FF] =	sst s2  }
0x5: {  	s6 =	sand.u32 $0x1, s3;
	s30 =	sshll.u32 s0, $0x1;
	s3 =	sadd.s32 $0x1000, s4  }
0x6: {  	vm0 =	vmmov $0x1;
	s9 =	sshll.u32 s0, $0x7;
	_ =	strace $0x80000047;
	s7 =	sor.u32 s6, s30  }
0x7: {  	vm1 =	vcmask $0x308;
	vm2 =	vcmask $0x70C;
	vm3 =	vcmask $0xB10;
	s6 =	ssub.s32 $0x2, s6;
	s9 =	sand.u32 $0x600, s9;
	s8 =	sshll.u32 s7, $0xD  }
0x8: {  	vm4 =	vcmask $0xF14;
	vm5 =	vcmask $0x1318;
	vm6 =	vcmask $0x171C;
	s7 =	sshll.u32 s7, $0x4;
	s10 =	sshrl.u32 s6, $0x1;
	s5 =	sadd.s32 s5, s9  }
0x9: {  	vm7 =	vcmask $0x1B20;
	vm8 =	vcmask $0x1F24;
	vm9 =	vcmask $0x2328;
	s9 =	simm.s32 $0x1;
	s7 =	sand.u32 $0x70, s7;
	s8 =	sadd.s32 s8, s4  }
0xa: {  	vm10 =	vcmask $0x272C;
	vm11 =	vcmask $0x2B30;
	vm12 =	vcmask $0x2F34;
	s6 =	ssub.s32 s6, s10;
	s10 =	simm.s32 $0x2;
	s31 =	sadd.s32 s7, s5  }
0xb: {  	vm13 =	vcmask $0x3338;
	vm14 =	vcmask $0x373C;
	vm15 =	vmmov $0x7fff;
	s5 =	sadd.s32 $0xF43400, s8;
	s6 =	smax.u32 s6, $0x1;
	[dreg:$0x3] =	wrdreg s31  }
.LBB2_1:
0xc: {  	s0 =	rddreg [dreg:$0x3];
	s1 =	simm.s32 $0x80;
	s4 =	simm.s32 $0x400  }
0xd: {  	[tilespmem:s2], [sflag:$0x1] =	stream.strided.gather [hbm4b:s0+s1], $0x200, s4, s1, $0x38;
	[tilespmem:$0x10200] =	vst v63  }
0xe: {  	_ =	swait.ge [sflag:s9], $0x200  }
0xf: {  	[sflag:s9] =	ssyncset.done $0x0  }
0x10: {  	[sflag:s9] =	ssyncadd.s32 $0xFFFFFE00  }
0x11: {  	v0 =	vld [tilespmem:s2+$0x0];
	_ =	sdelay $0x4  }
0x12: {  	v1 =	vnsel vm0, $0x0, v0  }
0x13: {  	v2 =	vsel vm2, $0x0, v0;
	(xrf0) =	vadd.scan.msk.s32 $0xffff, v1  }
0x14: {  	v40 =	vsel vm3, $0x0, v0;
	(xrf0) =	vadd.scan.msk.s32 $0xffff, v2  }
0x15: {  	v41 =	vsel vm1, $0x0, v0;
	(xrf0) =	vadd.scan.msk.s32 $0xffff, v40  }
0x16: {  	(xrf0) =	vadd.scan.msk.s32 $0xffff, v41;
	_ =	sdelay $0x2  }
0x17: {  	v42, _, _ =	vpop (xrf0)  }
0x18: {  	v43 =	vsel vm8, $0x0, v0;
	(v2sf) =	vpush v42, $0xF;
	v44, _, _ =	vpop (xrf0)  }
0x19: {  	v3 =	vsel vm9, $0x0, v0;
	(xrf0) =	vadd.scan.msk.s32 $0xffff, v43;
	(v2sf) =	vpush v44, $0xF;
	v45, _, _ =	vpop (xrf0)  }
0x1a: {  	v46 =	vsel vm5, $0x0, v0;
	(xrf0) =	vadd.scan.msk.s32 $0xffff, v3;
	v47, _, _ =	vpop (xrf0);
	(v2sf) =	vpush v45, $0xF  }
0x1b: {  	v48 =	vsel vm4, $0x0, v0;
	(xrf0) =	vadd.scan.msk.s32 $0xffff, v46;
	(v2sf) =	vpush v47, $0xF  }
0x1c: {  	(xrf0) =	vadd.scan.msk.s32 $0xffff, v48;
	_ =	sdelay $0x1  }
0x1d: {  	v49 =	vsel vm10, $0x0, v0  }
0x1e: {  	v50 =	vsel vm11, $0x0, v0;
	(xrf0) =	vadd.scan.msk.s32 $0xffff, v49;
	v51, _, _ =	vpop (xrf0)  }
0x1f: {  	v52 =	vsel vm12, $0x0, v0;
	(xrf0) =	vadd.scan.msk.s32 $0xffff, v50;
	v53, _, _ =	vpop (xrf0)  }
0x20: {  	v4 =	vsel vm13, $0x0, v0;
	(xrf0) =	vadd.scan.msk.s32 $0xffff, v52;
	(v2sf) =	vpush v51, $0xF;
	v54, _, _ =	vpop (xrf0)  }
0x21: {  	v55 =	vsel vm14, $0x0, v0;
	(xrf0) =	vadd.scan.msk.s32 $0xffff, v4;
	v56, _, _ =	vpop (xrf0)  }
0x22: {  	v5 =	vsel vm6, $0x0, v0;
	(xrf0) =	vadd.scan.msk.s32 $0xffff, v55;
	(v2sf) =	vpush v56, $0xF  }
0x23: {  	v57 =	vsel vm7, $0x0, v0;
	(xrf0) =	vadd.scan.msk.s32 $0xffff, v5  }
0x24: {  	s14 =	simm.s32 $0x2000;
	s15 =	simm.s32 $0x0;
	s23 =	simm.s32 $0x300;
	(xrf0) =	vadd.scan.msk.s32 $0xffff, v57;
	v58, _, _ =	vpop (xrf0);
	(v2sf) =	vpush v54, $0xF  }
0x25: {  	s24 =	simm.s32 $0x400;
	s19 =	simm.s32 $0x580;
	s16 =	simm.s32 $0x200;
	v59, _, _ =	vpop (xrf0)  }
0x26: {  	s25 =	simm.s32 $0x280;
	s20 =	simm.s32 $0x500;
	(v2sf) =	vpush v58, $0xF;
	v60, _, _ =	vpop (xrf0);
	s17 =	spop (v2sf)  }
0x27: {  	s26 =	simm.s32 $0x480;
	v61, _, _ =	vpop (xrf0);
	s17 =	sshll.u32 s17, $0x4;
	s28 =	spop (v2sf)  }
0x28: {  	s18 =	simm.s32 $0x800;
	v62, _, _ =	vpop (xrf0);
	(v2sf) =	vpush v53, $0xF;
	s21 =	sand.u32 $0x1FFFFFF0, s17;
	s29 =	spop (v2sf)  }
0x29: {  	s22 =	simm.s32 $0x700;
	v63, _, _ =	vpop (xrf0);
	s21 =	sadd.s32 s3, s21;
	s30 =	spop (v2sf)  }
0x2a: {  	v6, _, _ =	vpop (xrf0);
	(v2sf) =	vpush v63, $0xF;
	[tilespmem:s16], [sflag:$0x2] =	stream.linear.gather [hbm4b:s21+s2], $0x80, $0x38;
	[tilespmem:$0x10200] =	vst v63  }
0x2b: {  	s4 =	simm.s32 $0x380;
	(v2sf) =	vpush v6, $0xF;
	s28 =	sshll.u32 s28, $0x4;
	s30 =	sshll.u32 s30, $0x4  }
0x2c: {  	s17 =	simm.s32 $0x880;
	s28 =	sand.u32 $0x1FFFFFF0, s28;
	s30 =	sand.u32 $0x1FFFFFF0, s30  }
0x2d: {  	s29 =	sshll.u32 s29, $0x4;
	(v2sf) =	vpush v59, $0xF;
	s16 =	simm.s32 $0x10;
	s30 =	sadd.s32 s3, s30  }
0x2e: {  	[tilespmem:s25], [sflag:$0x2] =	stream.linear.gather [hbm4b:s30+s2], $0x80, $0x38;
	[tilespmem:$0x10200] =	vst v63  }
0x2f: {  	s29 =	sand.u32 $0x1FFFFFF0, s29;
	s28 =	sadd.s32 s3, s28;
	s1 =	spop (v2sf)  }
0x30: {  	v0 =	vsel vm15, $0x0, v0;
	[tilespmem:s23], [sflag:$0x2] =	stream.linear.gather [hbm4b:s28+s2], $0x80, $0x38;
	[tilespmem:$0x10200] =	vst v63  }
0x31: {  	(xrf0) =	vadd.scan.msk.s32 $0xffff, v0;
	s21 =	simm.s32 $0x780;
	(v2sf) =	vpush v60, $0xF;
	s29 =	sadd.s32 s3, s29;
	s28 =	spop (v2sf)  }
0x32: {  	[tilespmem:s4], [sflag:$0x2] =	stream.linear.gather [hbm4b:s29+s2], $0x80, $0x38;
	[tilespmem:$0x10200] =	vst v63  }
0x33: {  	(v2sf) =	vpush v61, $0xF;
	s25 =	sshll.u32 s1, $0x4;
	s28 =	sshll.u32 s28, $0x4;
	s29 =	spop (v2sf)  }
0x34: {  	s23 =	simm.s32 $0x680;
	s28 =	sand.u32 $0x1FFFFFF0, s28;
	s29 =	sshll.u32 s29, $0x4  }
0x35: {  	s30 =	spop (v2sf);
	s29 =	sand.u32 $0x1FFFFFF0, s29;
	s28 =	sadd.s32 s3, s28  }
0x36: {  	[tilespmem:s24], [sflag:$0x2] =	stream.linear.gather [hbm4b:s28+s2], $0x80, $0x38;
	[tilespmem:$0x10200] =	vst v63  }
0x37: {  	s8 =	sshll.u32 s30, $0x4;
	s29 =	sadd.s32 s3, s29;
	s7 =	spop (v2sf);
	(v2sf) =	vpush v62, $0xF  }
0x38: {  	v0, _, _ =	vpop (xrf0);
	[tilespmem:s26], [sflag:$0x2] =	stream.linear.gather [hbm4b:s29+s2], $0x80, $0x38;
	[tilespmem:$0x10200] =	vst v63  }
0x39: {  	s28 =	simm.s32 $0x600;
	s30 =	sand.u32 $0x1FFFFFF0, s8;
	s11 =	spop (v2sf);
	(v2sf) =	vpush v0, $0xF  }
0x3a: {  	s29 =	sand.u32 $0x1FFFFFF0, s25;
	s26 =	sshll.u32 s11, $0x4;
	s31 =	spop (v2sf)  }
0x3b: {  	s25 =	sshll.u32 s7, $0x4;
	s24 =	sand.u32 $0x1FFFFFF0, s26;
	s31 =	sshll.u32 s31, $0x4  }
.LBB2_2:
0x3c: {  	s24 =	sadd.s32 s3, s24;
	s26 =	sand.u32 $0x1FFFFFF0, s31;
	s31 =	spop (v2sf)  }
0x3d: {  	[tilespmem:s20], [sflag:$0x2] =	stream.linear.gather [hbm4b:s24+s2], $0x80, $0x38;
	[tilespmem:$0x10200] =	vst v63  }
0x3e: {  	s20 =	sadd.s32 s3, s26;
	s24 =	sand.u32 $0x1FFFFFF0, s25;
	s25 =	sshll.u32 s31, $0x4  }
0x3f: {  	[tilespmem:s19], [sflag:$0x2] =	stream.linear.gather [hbm4b:s20+s2], $0x80, $0x38;
	[tilespmem:$0x10200] =	vst v63  }
0x40: {  	s19 =	sadd.s32 s3, s29;
	s20 =	sand.u32 $0x1FFFFFF0, s25;
	s25 =	spop (v2sf)  }
0x41: {  	[tilespmem:s28], [sflag:$0x2] =	stream.linear.gather [hbm4b:s19+s2], $0x80, $0x38;
	[tilespmem:$0x10200] =	vst v63  }
0x42: {  	s19 =	sadd.s32 s3, s24;
	s24 =	sshll.u32 s25, $0x4;
	s25 =	spop (v2sf)  }
0x43: {  	[tilespmem:s23], [sflag:$0x2] =	stream.linear.gather [hbm4b:s19+s2], $0x80, $0x38;
	[tilespmem:$0x10200] =	vst v63  }
0x44: {  	s19 =	sadd.s32 s3, s30;
	s23 =	sand.u32 $0x1FFFFFF0, s24;
	s24 =	sshll.u32 s25, $0x4  }
0x45: {  	[tilespmem:s22], [sflag:$0x2] =	stream.linear.gather [hbm4b:s19+s2], $0x80, $0x38;
	[tilespmem:$0x10200] =	vst v63  }
0x46: {  	s19 =	sadd.s32 s3, s20;
	s20 =	sand.u32 $0x1FFFFFF0, s24;
	s22 =	spop (v2sf)  }
0x47: {  	[tilespmem:s21], [sflag:$0x2] =	stream.linear.gather [hbm4b:s19+s2], $0x80, $0x38;
	[tilespmem:$0x10200] =	vst v63  }
0x48: {  	s19 =	sadd.s32 s3, s23;
	s21 =	sshll.u32 s22, $0x4;
	s22 =	spop (v2sf)  }
0x49: {  	[tilespmem:s18], [sflag:$0x2] =	stream.linear.gather [hbm4b:s19+s2], $0x80, $0x38;
	[tilespmem:$0x10200] =	vst v63  }
0x4a: {  	s18 =	sadd.s32 s3, s20;
	s19 =	sand.u32 $0x1FFFFFF0, s21;
	s20 =	sshll.u32 s22, $0x4  }
0x4b: {  	[tilespmem:s17], [sflag:$0x2] =	stream.linear.gather [hbm4b:s18+s2], $0x80, $0x38;
	[tilespmem:$0x10200] =	vst v63  }
0x4c: {  	s17 =	sadd.s32 $0x900, s15;
	s18 =	sadd.s32 s3, s19;
	s19 =	sand.u32 $0x1FFFFFF0, s20  }
0x4d: {  	[tilespmem:s17], [sflag:$0x2] =	stream.linear.gather [hbm4b:s18+s2], $0x80, $0x38;
	[tilespmem:$0x10200] =	vst v63  }
0x4e: {  	p0 =	sne.s32 s14, $0x3E000;
	s15 =	sadd.s32 $0x980, s15;
	s17 =	sadd.s32 s3, s19  }
0x4f: {  	[tilespmem:s15], [sflag:$0x2] =	stream.linear.gather [hbm4b:s17+s2], $0x80, $0x38;
	[tilespmem:$0x10200] =	vst v63  }
0x50: {  	s15 =	smov.u32 s14;
	s14 =	sadd.s32 $0x2000, s14;
	v0 =	vld [tilespmem:s16+$0x0];
	_ =	sdelay $0x4  }
0x51: {  	v1 =	vnsel vm0, $0x0, v0;
	v2 =	vsel vm3, $0x0, v0;
	v3 =	vsel vm14, $0x0, v0  }
0x52: {  	v4 =	vsel vm2, $0x0, v0;
	v5 =	vsel vm15, $0x0, v0;
	(xrf0) =	vadd.scan.msk.s32 $0xffff, v1  }
0x53: {  	v6 =	vsel vm6, $0x0, v0;
	v1 =	vsel vm1, $0x0, v0;
	(xrf0) =	vadd.scan.msk.s32 $0xffff, v4  }
0x54: {  	v4 =	vsel vm7, $0x0, v0;
	(xrf0) =	vadd.scan.msk.s32 $0xffff, v2  }
0x55: {  	v2 =	vsel vm8, $0x0, v0;
	(xrf0) =	vadd.scan.msk.s32 $0xffff, v1  }
0x56: {  	v1 =	vsel vm9, $0x0, v0;
	(xrf0) =	vadd.scan.msk.s32 $0xffff, v2  }
0x57: {  	v2 =	vsel vm5, $0x0, v0;
	(xrf0) =	vadd.scan.msk.s32 $0xffff, v1  }
0x58: {  	v1 =	vsel vm4, $0x0, v0;
	v7, _, _ =	vpop (xrf0);
	(xrf0) =	vadd.scan.msk.s32 $0xffff, v2  }
0x59: {  	v2 =	vsel vm10, $0x0, v0;
	(v2sf) =	vpush v7, $0xF;
	v7, _, _ =	vpop (xrf0);
	(xrf0) =	vadd.scan.msk.s32 $0xffff, v1  }
0x5a: {  	v9 =	vsel vm11, $0x0, v0;
	(v2sf) =	vpush v7, $0xF;
	v7, _, _ =	vpop (xrf0);
	(xrf0) =	vadd.scan.msk.s32 $0xffff, v2  }
0x5b: {  	s15 =	sshra.s32 s15, $0x2;
	v2 =	vsel vm12, $0x0, v0;
	v8, _, _ =	vpop (xrf0);
	(v2sf) =	vpush v7, $0xF;
	(xrf0) =	vadd.scan.msk.s32 $0xffff, v9  }
0x5c: {  	s25 =	sadd.s32 $0x300, s15;
	v7 =	vsel vm13, $0x0, v0;
	(v2sf) =	vpush v8, $0xF;
	v1, _, _ =	vpop (xrf0);
	(xrf0) =	vadd.scan.msk.s32 $0xffff, v2  }
0x5d: {  	s24 =	sadd.s32 $0x400, s15;
	s19 =	sadd.s32 $0x580, s15;
	(v2sf) =	vpush v1, $0xF;
	v1, _, _ =	vpop (xrf0);
	(xrf0) =	vadd.scan.msk.s32 $0xffff, v7  }
0x5e: {  	s28 =	sadd.s32 $0x200, s15;
	s30 =	sadd.s32 $0x280, s15;
	v0, _, _ =	vpop (xrf0);
	(xrf0) =	vadd.scan.msk.s32 $0xffff, v3  }
0x5f: {  	s20 =	sadd.s32 $0x500, s15;
	v2, _, _ =	vpop (xrf0);
	(xrf0) =	vadd.scan.msk.s32 $0xffff, v6  }
0x60: {  	s26 =	sadd.s32 $0x480, s15;
	(v2sf) =	vpush v2, $0xF;
	(xrf0) =	vadd.scan.msk.s32 $0xffff, v4;
	v2, _, _ =	vpop (xrf0)  }
0x61: {  	(v2sf) =	vpush v0, $0xF;
	v0, _, _ =	vpop (xrf0);
	(xrf0) =	vadd.scan.msk.s32 $0xffff, v5  }
0x62: {  	(v2sf) =	vpush v2, $0xF;
	v2, _, _ =	vpop (xrf0)  }
0x63: {  	v3, _, _ =	vpop (xrf0)  }
0x64: {  	v4, _, _ =	vpop (xrf0)  }
0x65: {  	v5, _, _ =	vpop (xrf0);
	(v2sf) =	vpush v1, $0xF  }
0x66: {  	v1, _, _ =	vpop (xrf0)  }
0x67: {  	s16 =	sadd.s32 $0x10, s16;
	s18 =	sadd.s32 $0x800, s15;
	s17 =	sadd.s32 $0x880, s15;
	(v2sf) =	vpush v5, $0xF;
	v5, _, _ =	vpop (xrf0)  }
0x68: {  	s22 =	sadd.s32 $0x700, s15;
	s21 =	sadd.s32 $0x780, s15;
	s23 =	spop (v2sf)  }
0x69: {  	s29 =	sshll.u32 s23, $0x4;
	s23 =	sadd.s32 $0x680, s15;
	s31 =	spop (v2sf);
	(v2sf) =	vpush v1, $0xF  }
0x6a: {  	s29 =	sand.u32 $0x1FFFFFF0, s29;
	s31 =	sshll.u32 s31, $0x4;
	s0 =	spop (v2sf)  }
0x6b: {  	s29 =	sadd.s32 s3, s29;
	s31 =	sand.u32 $0x1FFFFFF0, s31;
	s1 =	spop (v2sf)  }
0x6c: {  	s0 =	sshll.u32 s0, $0x4;
	s1 =	sshll.u32 s1, $0x4;
	s7 =	spop (v2sf)  }
0x6d: {  	s0 =	sand.u32 $0x1FFFFFF0, s0;
	s1 =	sand.u32 $0x1FFFFFF0, s1;
	s7 =	sshll.u32 s7, $0x4;
	(v2sf) =	vpush v0, $0xF  }
0x6e: {  	[tilespmem:s28], [sflag:$0x2] =	stream.linear.gather [hbm4b:s29+s2], $0x80, $0x38;
	[tilespmem:$0x10200] =	vst v63  }
0x6f: {  	s28 =	sadd.s32 $0x600, s15;
	s29 =	sand.u32 $0x1FFFFFF0, s7;
	s7 =	spop (v2sf)  }
0x70: {  	s8 =	sadd.s32 $0x380, s15;
	s7 =	sshll.u32 s7, $0x4;
	s11 =	spop (v2sf)  }
0x71: {  	s7 =	sand.u32 $0x1FFFFFF0, s7;
	s11 =	sshll.u32 s11, $0x4;
	s4 =	spop (v2sf);
	(v2sf) =	vpush v2, $0xF  }
0x72: {  	s1 =	sadd.s32 s3, s1;
	s11 =	sand.u32 $0x1FFFFFF0, s11;
	s4 =	sshll.u32 s4, $0x4  }
0x73: {  	[tilespmem:s30], [sflag:$0x2] =	stream.linear.gather [hbm4b:s1+s2], $0x80, $0x38;
	(v2sf) =	vpush v3, $0xF;
	[tilespmem:$0x10200] =	vst v63  }
0x74: {  	s1 =	sadd.s32 s3, s31;
	s30 =	sand.u32 $0x1FFFFFF0, s4;
	s4 =	spop (v2sf)  }
0x75: {  	[tilespmem:s25], [sflag:$0x2] =	stream.linear.gather [hbm4b:s1+s2], $0x80, $0x38;
	[tilespmem:$0x10200] =	vst v63  }
0x76: {  	s0 =	sadd.s32 s3, s0;
	s25 =	sshll.u32 s4, $0x4;
	s1 =	spop (v2sf)  }
0x77: {  	[tilespmem:s8], [sflag:$0x2] =	stream.linear.gather [hbm4b:s0+s2], $0x80, $0x38;
	[tilespmem:$0x10200] =	vst v63  }
.Ltmp0:
0x78: {  	(v2sf) =	vpush v4, $0xF;
	(pc) =	sbr.rel @p0 .LBB2_2-.Ltmp0, $4  }
0x79: {  	s0 =	sadd.s32 s3, s7;
	s1 =	sshll.u32 s1, $0x4;
	s4 =	spop (v2sf)  }
0x7a: {  	[tilespmem:s24], [sflag:$0x2] =	stream.linear.gather [hbm4b:s0+s2], $0x80, $0x38;
	(v2sf) =	vpush v5, $0xF;
	[tilespmem:$0x10200] =	vst v63  }
0x7b: {  	s0 =	sadd.s32 s3, s11;
	s24 =	sand.u32 $0x1FFFFFF0, s1;
	s31 =	sshll.u32 s4, $0x4  }
0x7c: {  	[tilespmem:s26], [sflag:$0x2] =	stream.linear.gather [hbm4b:s0+s2], $0x80, $0x38;
	[tilespmem:$0x10200] =	vst v63  }
0x7d: {  	s0 =	sadd.s32 s3, s24;
	s1 =	sand.u32 $0x1FFFFFF0, s31;
	s4 =	spop (v2sf)  }
0x7e: {  	[tilespmem:s20], [sflag:$0x2] =	stream.linear.gather [hbm4b:s0+s2], $0x80, $0x38;
	[tilespmem:$0x10200] =	vst v63  }
0x7f: {  	s26 =	sand.u32 $0x1FFFFFF0, s25;
	s31 =	sadd.s32 s3, s29;
	s24 =	sadd.s32 s3, s1  }
0x80: {  	[tilespmem:s19], [sflag:$0x2] =	stream.linear.gather [hbm4b:s24+s2], $0x80, $0x38;
	[tilespmem:$0x10200] =	vst v63  }
0x81: {  	s14 =	sadd.s32 s3, s30;
	s4 =	sshll.u32 s4, $0x4;
	s7 =	spop (v2sf)  }
0x82: {  	[tilespmem:s28], [sflag:$0x2] =	stream.linear.gather [hbm4b:s31+s2], $0x80, $0x38;
	[tilespmem:$0x10200] =	vst v63  }
0x83: {  	s1 =	sadd.s32 s3, s26;
	s4 =	sand.u32 $0x1FFFFFF0, s4;
	s11 =	spop (v2sf)  }
0x84: {  	[tilespmem:s23], [sflag:$0x2] =	stream.linear.gather [hbm4b:s1+s2], $0x80, $0x38;
	[tilespmem:$0x10200] =	vst v63  }
0x85: {  	s16 =	sadd.s32 s3, s4;
	s8 =	sshll.u32 s7, $0x4;
	s7 =	sshll.u32 s11, $0x4  }
0x86: {  	[tilespmem:s22], [sflag:$0x2] =	stream.linear.gather [hbm4b:s14+s2], $0x80, $0x38;
	[tilespmem:$0x10200] =	vst v63  }
0x87: {  	s1 =	sand.u32 $0x1FFFFFF0, s8;
	s19 =	sand.u32 $0x1FFFFFF0, s7;
	s20 =	spop (v2sf)  }
0x88: {  	[tilespmem:s21], [sflag:$0x2] =	stream.linear.gather [hbm4b:s16+s2], $0x80, $0x38;
	[tilespmem:$0x10200] =	vst v63  }
0x89: {  	s22 =	sadd.s32 s3, s1;
	s23 =	sshll.u32 s20, $0x4;
	s24 =	spop (v2sf)  }
0x8a: {  	[tilespmem:s18], [sflag:$0x2] =	stream.linear.gather [hbm4b:s22+s2], $0x80, $0x38;
	[tilespmem:$0x10200] =	vst v63  }
0x8b: {  	s25 =	sadd.s32 s3, s19;
	s1 =	sand.u32 $0x1FFFFFF0, s23;
	s26 =	sshll.u32 s24, $0x4  }
0x8c: {  	[tilespmem:s17], [sflag:$0x2] =	stream.linear.gather [hbm4b:s25+s2], $0x80, $0x38;
	[tilespmem:$0x10200] =	vst v63  }
0x8d: {  	s28 =	sadd.s32 $0x900, s15;
	s1 =	sadd.s32 s3, s1;
	s4 =	sand.u32 $0x1FFFFFF0, s26  }
0x8e: {  	[tilespmem:s28], [sflag:$0x2] =	stream.linear.gather [hbm4b:s1+s2], $0x80, $0x38;
	[tilespmem:$0x10200] =	vst v63  }
0x8f: {  	s29 =	sadd.s32 $0x980, s15;
	s30 =	sadd.s32 s3, s4  }
0x90: {  	[tilespmem:s29], [sflag:$0x2] =	stream.linear.gather [hbm4b:s30+s2], $0x80, $0x38;
	[tilespmem:$0x10200] =	vst v63  }
0x91: {  	s13 =	sadd.s32 $0x1, s13;
	_ =	swait.ge [sflag:s10], $0x10000  }
0x92: {  	p0 =	sne.s32 s13, s6;
	[sflag:s10] =	ssyncset.done $0x0  }
.Ltmp1:
0x93: {  	s31 =	simm.s32 $0x200;
	[sflag:s10] =	ssyncadd.s32 $0xFFFF0000;
	(pc) =	sbr.rel @p0 .LBB2_1-.Ltmp1, $4  }
0x94: {  	[hbm4b:s5+s2] =	stream.linear.scatter [tilespmem:s31], [sflag:$0x3], $0x10000, $0x38;
	[tilespmem:$0x10200] =	vst v63  }
0x95: {  	_ =	swait.ge [sflag:s12], $0x10000  }
0x96: {  	[sflag:s12] =	ssyncset.done $0x0  }
0x97: {  	[sflag:s12] =	ssyncadd.s32 $0xFFFF0000  }
0x98: {  	_ =	sfence.sel $0x180000  }
0x99: {  	[bflag:$0x0] =	sbarrier.arrive $0xFFFF  }
0x9a: {  	_ =	strace $0x90000047  }
0x9b: {  	s0 =	stileid.u32;
	[bflag:$0x2] =	sbarrier.arrive $0xFFFF  }
0x9c: {  	p0 =	sne.s32 s0, $0x0;
	s0 =	rddreg [dreg:$0x2]  }
0x9d: {  	s0 =	sadd.s32 @!p0 $0x100000, s0  }
0x9e: {  	[sflag:s0] =	ssyncadd.tile.s32 @!p0 $0x1;
	_ =	shalt  }
.Lfunc_end2:
_tile_overlayer_lowered:
.L_overlay_start_2:
0x9f: {  	(tag) =	ssettag $0x2  }
0xa0: {  	s0 =	rddreg [dreg:$0x0];
	s2 =	stileid.u32  }
0xa1: {  	s1 =	rddreg [dreg:$0x1];
	p0 =	sne.s32 s2, $0x0  }
0xa2: {  	s3 =	rddreg [dreg:$0x2];
	[bflag:$0x3] =	sbarrier.arrive $0xFFFF;
	s2 =	simm.s32 @!p0 $0x1C03  }
0xa3: {  	[timem:s3], [sflag:s2] =	dma.local @!p0 [hbm:s0], s1  }
0xa4: {  	s0 =	simm.s32 @!p0 $0x3  }
0xa5: {  	_ =	swait.ge @!p0 [sflag:s0], s1  }
0xa6: {  	s1 =	ssub.s32 @!p0 $0x0, s1;
	[sflag:s0] =	ssyncset.done @!p0 $0x0  }
0xa7: {  	[sflag:s0] =	ssyncadd.s32 @!p0 s1  }
0xa8: {  	[bflag:$0x3] =	sbarrier.arrive $0xFFFF  }
0xa9: {  	_ =	shalt  }

</sc_bundles>
